<compile_context>
chip_gen: v7x
topology: tpu7x:2x2x1
jax: 0.10.2.dev20260603
libtpu: 0.0.44.dev20260713+nightly
codegen_flags: <defaults>
</compile_context>

<pallas_src>
import functools

import jax
import jax.numpy as jnp
from jax import lax
from jax.experimental import pallas as pl
from jax.experimental.pallas import tpu as pltpu
from jax.experimental.pallas import tpu_sc as plsc

N = 10000
E = 160000
D = 256
H = 128
NC = 2
NT = 16
EPT = E // NT
EPC = E // NC
EPT_DEG = EPC // NT
BK = 128
REM = EPT - (EPT // BK) * BK
REM_DEG = EPT_DEG - (EPT_DEG // BK) * BK
ROWS_A = 624
ROWS_B = N - (NT - 1) * ROWS_A

_MESH = plsc.VectorSubcoreMesh(core_axis_name="c", subcore_axis_name="s")


def _tile_slab_copy(s, src_of, dst_of):
    @pl.when(s < NT - 1)
    def _():
        pltpu.sync_copy(*src_dst(src_of, dst_of, s * ROWS_A, ROWS_A))

    @pl.when(s == NT - 1)
    def _():
        pltpu.sync_copy(*src_dst(src_of, dst_of, (NT - 1) * ROWS_A, ROWS_B))


def src_dst(src_of, dst_of, r0, nr):
    return src_of(r0, nr), dst_of(r0, nr)


@functools.partial(
    pl.kernel,
    out_type=jax.ShapeDtypeStruct((2 * N, H), jnp.float32),
    mesh=_MESH,
    scratch_types=[
        pltpu.VMEM((BK,), jnp.int32),
        pltpu.VMEM((BK,), jnp.int32),
        pltpu.VMEM((BK,), jnp.int32),
        pltpu.VMEM((BK,), jnp.int32),
        pltpu.VMEM((REM,), jnp.int32),
        pltpu.VMEM((REM,), jnp.int32),
        pltpu.VMEM((BK, H), jnp.float32),
        pltpu.VMEM((BK, H), jnp.float32),
        pltpu.VMEM((REM, H), jnp.float32),
        pltpu.VMEM_SHARED((N, H), jnp.float32),
        pltpu.SemaphoreType.DMA,
        pltpu.SemaphoreType.DMA,
    ],
)
def _sc_agg(x2, src2, dst, zeros, out, sidx_a, didx_a, sidx_b, didx_b,
            sidx_r, didx_r, rows_a, rows_b, rows_r, acc, sem_a, sem_b):
    c = lax.axis_index("c")
    s = lax.axis_index("s")
    _tile_slab_copy(s, lambda r0, nr: zeros.at[pl.ds(0, nr)],
                    lambda r0, nr: acc.at[pl.ds(r0, nr)])
    plsc.subcore_barrier()
    eb = c * E + s * EPT
    db = s * EPT
    nb = EPT // BK
    nb2 = nb // 2

    pltpu.sync_copy(src2.at[pl.ds(eb, BK)], sidx_a)
    pltpu.sync_copy(dst.at[pl.ds(db, BK)], didx_a)
    pltpu.async_copy(x2.at[sidx_a], rows_a, sem_a)

    def body(i, carry):
        offb = (2 * i + 1) * BK
        pltpu.sync_copy(src2.at[pl.ds(eb + offb, BK)], sidx_b)
        pltpu.sync_copy(dst.at[pl.ds(db + offb, BK)], didx_b)
        pltpu.async_copy(x2.at[sidx_b], rows_b, sem_b)
        pltpu.make_async_copy(x2.at[sidx_a], rows_a, sem_a).wait()
        pltpu.sync_copy(rows_a, acc.at[didx_a], add=True)

        @pl.when(i < nb2 - 1)
        def _():
            offa = (2 * i + 2) * BK
            pltpu.sync_copy(src2.at[pl.ds(eb + offa, BK)], sidx_a)
            pltpu.sync_copy(dst.at[pl.ds(db + offa, BK)], didx_a)
            pltpu.async_copy(x2.at[sidx_a], rows_a, sem_a)
        pltpu.make_async_copy(x2.at[sidx_b], rows_b, sem_b).wait()
        pltpu.sync_copy(rows_b, acc.at[didx_b], add=True)
        return carry

    lax.fori_loop(0, nb2, body, 0)
    pltpu.sync_copy(src2.at[pl.ds(eb + nb * BK, REM)], sidx_r)
    pltpu.sync_copy(dst.at[pl.ds(db + nb * BK, REM)], didx_r)
    pltpu.async_copy(x2.at[sidx_r], rows_r, sem_a).wait()
    pltpu.sync_copy(rows_r, acc.at[didx_r], add=True)
    plsc.subcore_barrier()
    _tile_slab_copy(s, lambda r0, nr: acc.at[pl.ds(r0, nr)],
                    lambda r0, nr: out.at[pl.ds(c * N + r0, nr)])


@functools.partial(
    pl.kernel,
    out_type=[jax.ShapeDtypeStruct((2 * N, H), jnp.float32),
              jax.ShapeDtypeStruct((2 * N, H), jnp.float32)],
    mesh=_MESH,
    scratch_types=[
        pltpu.VMEM((BK,), jnp.int32),
        pltpu.VMEM((BK,), jnp.int32),
        pltpu.VMEM((BK,), jnp.int32),
        pltpu.VMEM((BK,), jnp.int32),
        pltpu.VMEM((REM,), jnp.int32),
        pltpu.VMEM((REM,), jnp.int32),
        pltpu.VMEM((REM_DEG,), jnp.int32),
        pltpu.VMEM((BK, H), jnp.float32),
        pltpu.VMEM((BK, H), jnp.float32),
        pltpu.VMEM((REM, H), jnp.float32),
        pltpu.VMEM_SHARED((N, H), jnp.float32),
        pltpu.SemaphoreType.DMA,
        pltpu.SemaphoreType.DMA,
    ],
)
def _sc_agg_deg(x2, src2, dst, zeros, ones, deg_out, out, sidx_a, didx_a,
                sidx_b, didx_b, sidx_r, didx_r, didx_r8, rows_a, rows_b,
                rows_r, acc, sem_a, sem_b):
    c = lax.axis_index("c")
    s = lax.axis_index("s")
    _tile_slab_copy(s, lambda r0, nr: zeros.at[pl.ds(0, nr)],
                    lambda r0, nr: acc.at[pl.ds(r0, nr)])
    pltpu.sync_copy(ones, rows_a)
    plsc.subcore_barrier()
    dbase = c * EPC + s * EPT_DEG
    nbd = EPT_DEG // BK

    def dbody(i, carry):
        pltpu.sync_copy(dst.at[pl.ds(dbase + i * BK, BK)], didx_a)
        pltpu.sync_copy(rows_a, acc.at[didx_a], add=True)
        return carry

    lax.fori_loop(0, nbd, dbody, 0)
    pltpu.sync_copy(dst.at[pl.ds(dbase + nbd * BK, REM_DEG)], didx_r8)
    pltpu.sync_copy(rows_a.at[pl.ds(0, REM_DEG)], acc.at[didx_r8], add=True)
    plsc.subcore_barrier()
    _tile_slab_copy(s, lambda r0, nr: acc.at[pl.ds(r0, nr)],
                    lambda r0, nr: deg_out.at[pl.ds(c * N + r0, nr)])
    _tile_slab_copy(s, lambda r0, nr: zeros.at[pl.ds(0, nr)],
                    lambda r0, nr: acc.at[pl.ds(r0, nr)])
    plsc.subcore_barrier()

    eb = c * E + s * EPT
    db = s * EPT
    nb = EPT // BK
    nb2 = nb // 2

    pltpu.sync_copy(src2.at[pl.ds(eb, BK)], sidx_a)
    pltpu.sync_copy(dst.at[pl.ds(db, BK)], didx_a)
    pltpu.async_copy(x2.at[sidx_a], rows_a, sem_a)

    def body(i, carry):
        offb = (2 * i + 1) * BK
        pltpu.sync_copy(src2.at[pl.ds(eb + offb, BK)], sidx_b)
        pltpu.sync_copy(dst.at[pl.ds(db + offb, BK)], didx_b)
        pltpu.async_copy(x2.at[sidx_b], rows_b, sem_b)
        pltpu.make_async_copy(x2.at[sidx_a], rows_a, sem_a).wait()
        pltpu.sync_copy(rows_a, acc.at[didx_a], add=True)

        @pl.when(i < nb2 - 1)
        def _():
            offa = (2 * i + 2) * BK
            pltpu.sync_copy(src2.at[pl.ds(eb + offa, BK)], sidx_a)
            pltpu.sync_copy(dst.at[pl.ds(db + offa, BK)], didx_a)
            pltpu.async_copy(x2.at[sidx_a], rows_a, sem_a)
        pltpu.make_async_copy(x2.at[sidx_b], rows_b, sem_b).wait()
        pltpu.sync_copy(rows_b, acc.at[didx_b], add=True)
        return carry

    lax.fori_loop(0, nb2, body, 0)
    pltpu.sync_copy(src2.at[pl.ds(eb + nb * BK, REM)], sidx_r)
    pltpu.sync_copy(dst.at[pl.ds(db + nb * BK, REM)], didx_r)
    pltpu.async_copy(x2.at[sidx_r], rows_r, sem_a).wait()
    pltpu.sync_copy(rows_r, acc.at[didx_r], add=True)
    plsc.subcore_barrier()
    _tile_slab_copy(s, lambda r0, nr: acc.at[pl.ds(r0, nr)],
                    lambda r0, nr: out.at[pl.ds(c * N + r0, nr)])


R = 1000
G = N // R

_DOT = functools.partial(
    lax.dot_general,
    dimension_numbers=(((1,), (1,)), ((), ())),
    preferred_element_type=jnp.float32,
)


def _inv_deg(dg0, dg1):
    d = dg0[:, 0:1] + dg1[:, 0:1]
    return 1.0 / jnp.maximum(d, 1.0)


def _tc1_body(agg_lo, agg_hi, dg0, dg1, x_ref, wl, wr, b, out):
    inv = _inv_deg(dg0[...], dg1[...])
    aggm = jnp.concatenate([agg_lo[...], agg_hi[...]], axis=1) * inv
    t = _DOT(aggm, wl[...]) + _DOT(x_ref[...], wr[...]) + b[...]
    h = jnp.maximum(t, 0.0)
    out[0] = h[:, :H]
    out[1] = h[:, H:]


_tc1 = pl.pallas_call(
    _tc1_body,
    grid=(G,),
    in_specs=[
        pl.BlockSpec((R, H), lambda i: (i, 0)),
        pl.BlockSpec((R, H), lambda i: (i + G, 0)),
        pl.BlockSpec((R, H), lambda i: (i, 0)),
        pl.BlockSpec((R, H), lambda i: (i + G, 0)),
        pl.BlockSpec((R, D), lambda i: (i, 0)),
        pl.BlockSpec((D, D), lambda i: (0, 0)),
        pl.BlockSpec((D, D), lambda i: (0, 0)),
        pl.BlockSpec((1, D), lambda i: (0, 0)),
    ],
    out_specs=pl.BlockSpec((2, R, H), lambda i: (0, i, 0)),
    out_shape=jax.ShapeDtypeStruct((2, N, H), jnp.float32),
)


def _tc2_body(agg_lo, agg_hi, dg0, dg1, h_lo, h_hi, wl, wr, b, wfc, bfc, out):
    inv = _inv_deg(dg0[...], dg1[...])
    aggm = jnp.concatenate([agg_lo[...], agg_hi[...]], axis=1) * inv
    hcat = jnp.concatenate([h_lo[0], h_hi[0]], axis=1)
    t = _DOT(aggm, wl[...]) + _DOT(hcat, wr[...]) + b[...]
    h2 = jnp.maximum(t, 0.0)
    out[...] = _DOT(h2, wfc[...]) + bfc[...]


_tc2 = pl.pallas_call(
    _tc2_body,
    grid=(G,),
    in_specs=[
        pl.BlockSpec((R, H), lambda i: (i, 0)),
        pl.BlockSpec((R, H), lambda i: (i + G, 0)),
        pl.BlockSpec((R, H), lambda i: (i, 0)),
        pl.BlockSpec((R, H), lambda i: (i + G, 0)),
        pl.BlockSpec((1, R, H), lambda i: (0, i, 0)),
        pl.BlockSpec((1, R, H), lambda i: (1, i, 0)),
        pl.BlockSpec((D, D), lambda i: (0, 0)),
        pl.BlockSpec((D, D), lambda i: (0, 0)),
        pl.BlockSpec((1, D), lambda i: (0, 0)),
        pl.BlockSpec((D, D), lambda i: (0, 0)),
        pl.BlockSpec((1, D), lambda i: (0, 0)),
    ],
    out_specs=pl.BlockSpec((R, D), lambda i: (i, 0)),
    out_shape=jax.ShapeDtypeStruct((N, D), jnp.float32),
)


def kernel(x, edge_index, W1l, W1r, b1, W2l, W2r, b2, Wfc, bfc):
    src = edge_index[0].astype(jnp.int32)
    dst = edge_index[1].astype(jnp.int32)
    src2 = jnp.concatenate([src, src + N])
    x2 = jnp.transpose(x.reshape(N, 2, H), (1, 0, 2)).reshape(2 * N, H)
    zeros = jnp.zeros((ROWS_B, H), jnp.float32)
    ones = jnp.ones((BK, H), jnp.float32)

    deg, agg1 = _sc_agg_deg(x2, src2, dst, zeros, ones)
    hs = _tc1(agg1, agg1, deg, deg, x, W1l, W1r, b1.reshape(1, D))
    agg2 = _sc_agg(hs.reshape(2 * N, H), src2, dst, zeros)
    out = _tc2(agg2, agg2, deg, deg, hs, hs, W2l, W2r, b2.reshape(1, D),
               Wfc, bfc.reshape(1, D))
    return out

# --- scband reference (transcript-rebuilt; emitter-appended) ---
"""Pipeline reference for scband-graph-sagenetwork-30992484008542 (READ-ONLY COPY).

The authoritative reference and input builder live on the scoring server;
editing this copy changes nothing except your own understanding.
"""

import jax, jax.numpy as jnp
import numpy as np

N = 10000
E = 160000
D_IN = 256
D_HID = 256
D_OUT = 256

def setup_inputs(seed: int = 0) -> dict:
    key = jax.random.key(seed)
    ks = jax.random.split(key, 12)
    x = jax.random.normal(ks[0], (N, D_IN), dtype=jnp.float32)
    edge_index = jax.random.randint(ks[1], (2, E), 0, N, dtype=jnp.int64)
    def glorot(k, shape):
        lim = float(np.sqrt(6.0 / (shape[0] + shape[1])))
        return jax.random.uniform(k, shape, dtype=jnp.float32, minval=-lim, maxval=lim)
    W1l = glorot(ks[2], (D_HID, D_IN))
    W1r = glorot(ks[3], (D_HID, D_IN))
    b1 = jnp.zeros((D_HID,), dtype=jnp.float32)
    W2l = glorot(ks[4], (D_HID, D_HID))
    W2r = glorot(ks[5], (D_HID, D_HID))
    b2 = jnp.zeros((D_HID,), dtype=jnp.float32)
    Wfc = glorot(ks[6], (D_OUT, D_HID))
    bfc = jnp.zeros((D_OUT,), dtype=jnp.float32)
    return {"x": x, "edge_index": edge_index, "W1l": W1l, "W1r": W1r, "b1": b1, "W2l": W2l, "W2r": W2r, "b2": b2, "Wfc": Wfc, "bfc": bfc}

def _sage_conv(x, edge_index, Wl, Wr, b):
    src = edge_index[0]
    dst = edge_index[1]
    # mean aggregation of source features into destination nodes
    msg = jnp.take(x, src, axis=0)
    agg = jax.ops.segment_sum(msg, dst, num_segments=x.shape[0])
    deg = jax.ops.segment_sum(jnp.ones((edge_index.shape[1],), dtype=x.dtype), dst, num_segments=x.shape[0])
    deg = jnp.clip(deg, 1.0, None)
    agg = agg / deg[:, None]
    return agg @ Wl.T + x @ Wr.T + b

def reference(x, edge_index, W1l, W1r, b1, W2l, W2r, b2, Wfc, bfc):
    h = _sage_conv(x, edge_index, W1l, W1r, b1)
    h = jax.nn.relu(h)
    # dropout is identity in eval/deterministic reference
    h = _sage_conv(h, edge_index, W2l, W2r, b2)
    h = jax.nn.relu(h)
    out = h @ Wfc.T + bfc
    return out

if __name__ == "__main__":
    import jax
    _d = setup_inputs()
    print(jax.jit(kernel)(*tuple(_d.values())))

</pallas_src>

<mosaic_0001>
#map = affine_map<(d0, d1) -> (0, 0)>
#map1 = affine_map<(d0, d1) -> (0)>
module attributes {stable_mosaic.version = 14 : i64} {
  func.func @_sc_agg(%arg0: i32, %arg1: i32, %arg2: memref<20000x128xf32, #tpu.memory_space<hbm>>, %arg3: memref<320000xi32, #tpu.memory_space<hbm>>, %arg4: memref<160000xi32, #tpu.memory_space<hbm>>, %arg5: memref<640x128xf32, #tpu.memory_space<hbm>>, %arg6: memref<20000x128xf32, #tpu.memory_space<hbm>>, %arg7: memref<128xi32, #tpu.memory_space<vmem>>, %arg8: memref<128xi32, #tpu.memory_space<vmem>>, %arg9: memref<128xi32, #tpu.memory_space<vmem>>, %arg10: memref<128xi32, #tpu.memory_space<vmem>>, %arg11: memref<16xi32, #tpu.memory_space<vmem>>, %arg12: memref<16xi32, #tpu.memory_space<vmem>>, %arg13: memref<128x128xf32, #tpu.memory_space<vmem>>, %arg14: memref<128x128xf32, #tpu.memory_space<vmem>>, %arg15: memref<16x128xf32, #tpu.memory_space<vmem>>, %arg16: memref<10000x128xf32, #tpu.memory_space<vmem_shared>>, %arg17: memref<!tpu.dma_semaphore, #tpu.memory_space<semaphore_mem>>, %arg18: memref<!tpu.dma_semaphore, #tpu.memory_space<semaphore_mem>>) attributes {dimension_semantics = [#tpu.dimension_semantics<core_parallel>, #tpu.dimension_semantics<subcore_parallel>], iteration_bounds = array<i64: 2, 16>, scalar_prefetch = 0 : i64, scratch_operands = 12 : i64, tpu.core_type = #tpu.core_type<sc_vector_subcore>, window_params = [{transform_indices = #map}, {transform_indices = #map1}, {transform_indices = #map1}, {transform_indices = #map}, {transform_indices = #map}]} {
    %lt3A = arith.constant 15 : i32
    %lt3A_0 = arith.cmpi slt, %arg1, %lt3A : i32
    %convert_element_type3A = arith.extui %lt3A_0 : i1 to i32
    %cond3A = arith.constant 0 : i32
    %cond3A_1 = arith.cmpi ne, %convert_element_type3A, %cond3A : i32
    scf.if %cond3A_1 {
      %mul3A_38 = arith.constant 624 : i32
      %mul3A_39 = arith.muli %arg1, %mul3A_38 : i32
      "tpu.region"() ({
        %run_scoped3A = tpu.sem_alloc : memref<!tpu.dma_semaphore, #tpu.memory_space<semaphore_mem>>
        %dma_start3A_40 = arith.constant 0 : i32
        %dma_start3A_41 = tpu.memref_slice %arg16[%mul3A_39, %dma_start3A_40] : memref<10000x128xf32, #tpu.memory_space<vmem_shared>> -> memref<624x128xf32, #tpu.memory_space<vmem_shared>>
        %dma_start3A_42 = arith.constant 0 : i32
        %dma_start3A_43 = arith.constant 0 : i32
        %dma_start3A_44 = tpu.memref_slice %arg5[%dma_start3A_42, %dma_start3A_43] : memref<640x128xf32, #tpu.memory_space<hbm>> -> memref<624x128xf32, #tpu.memory_space<hbm>>
        tpu.enqueue_dma source(%dma_start3A_44 : memref<624x128xf32, #tpu.memory_space<hbm>>) target(%dma_start3A_41 : memref<624x128xf32, #tpu.memory_space<vmem_shared>>) target_semaphore(%run_scoped3A : memref<!tpu.dma_semaphore, #tpu.memory_space<semaphore_mem>>)
        %dma_wait3A_45 = arith.constant 0 : i32
        %dma_wait3A_46 = tpu.memref_slice %arg16[%mul3A_39, %dma_wait3A_45] : memref<10000x128xf32, #tpu.memory_space<vmem_shared>> -> memref<624x128xf32, #tpu.memory_space<vmem_shared>>
        %dma_wait3A_47 = arith.constant 0 : i32
        %dma_wait3A_48 = arith.constant 0 : i32
        %dma_wait3A_49 = tpu.memref_slice %arg5[%dma_wait3A_47, %dma_wait3A_48] : memref<640x128xf32, #tpu.memory_space<hbm>> -> memref<624x128xf32, #tpu.memory_space<hbm>>
        tpu.wait_dma2 semaphore(%run_scoped3A : memref<!tpu.dma_semaphore, #tpu.memory_space<semaphore_mem>>) src(%dma_wait3A_49 : memref<624x128xf32, #tpu.memory_space<hbm>>) dst(%dma_wait3A_46 : memref<624x128xf32, #tpu.memory_space<vmem_shared>>)
        tpu.yield
      }) : () -> ()
    } else {
    }
    %eq3A = arith.constant 15 : i32
    %eq3A_2 = arith.cmpi eq, %arg1, %eq3A : i32
    %convert_element_type3A_3 = arith.extui %eq3A_2 : i1 to i32
    %cond3A_4 = arith.constant 0 : i32
    %cond3A_5 = arith.cmpi ne, %convert_element_type3A_3, %cond3A_4 : i32
    scf.if %cond3A_5 {
      "tpu.region"() ({
        %run_scoped3A = tpu.sem_alloc : memref<!tpu.dma_semaphore, #tpu.memory_space<semaphore_mem>>
        %dma_start3A_38 = arith.constant 9360 : i32
        %dma_start3A_39 = arith.constant 0 : i32
        %dma_start3A_40 = tpu.memref_slice %arg16[%dma_start3A_38, %dma_start3A_39] : memref<10000x128xf32, #tpu.memory_space<vmem_shared>> -> memref<640x128xf32, #tpu.memory_space<vmem_shared>>
        %dma_start3A_41 = arith.constant 0 : i32
        %dma_start3A_42 = arith.constant 0 : i32
        %dma_start3A_43 = tpu.memref_slice %arg5[%dma_start3A_41, %dma_start3A_42] : memref<640x128xf32, #tpu.memory_space<hbm>> -> memref<640x128xf32, #tpu.memory_space<hbm>>
        tpu.enqueue_dma source(%dma_start3A_43 : memref<640x128xf32, #tpu.memory_space<hbm>>) target(%dma_start3A_40 : memref<640x128xf32, #tpu.memory_space<vmem_shared>>) target_semaphore(%run_scoped3A : memref<!tpu.dma_semaphore, #tpu.memory_space<semaphore_mem>>)
        %dma_wait3A_44 = arith.constant 9360 : i32
        %dma_wait3A_45 = arith.constant 0 : i32
        %dma_wait3A_46 = tpu.memref_slice %arg16[%dma_wait3A_44, %dma_wait3A_45] : memref<10000x128xf32, #tpu.memory_space<vmem_shared>> -> memref<640x128xf32, #tpu.memory_space<vmem_shared>>
        %dma_wait3A_47 = arith.constant 0 : i32
        %dma_wait3A_48 = arith.constant 0 : i32
        %dma_wait3A_49 = tpu.memref_slice %arg5[%dma_wait3A_47, %dma_wait3A_48] : memref<640x128xf32, #tpu.memory_space<hbm>> -> memref<640x128xf32, #tpu.memory_space<hbm>>
        tpu.wait_dma2 semaphore(%run_scoped3A : memref<!tpu.dma_semaphore, #tpu.memory_space<semaphore_mem>>) src(%dma_wait3A_49 : memref<640x128xf32, #tpu.memory_space<hbm>>) dst(%dma_wait3A_46 : memref<640x128xf32, #tpu.memory_space<vmem_shared>>)
        tpu.yield
      }) : () -> ()
    } else {
    }
    %barrier3A = arith.constant 0 : index
    tpu.barrier barrier_id(%barrier3A)
    %mul3A = arith.constant 160000 : i32
    %mul3A_6 = arith.muli %arg0, %mul3A : i32
    %mul3A_7 = arith.constant 10000 : i32
    %mul3A_8 = arith.muli %arg1, %mul3A_7 : i32
    %add3A = arith.addi %mul3A_6, %mul3A_8 : i32
    %mul3A_9 = arith.constant 10000 : i32
    %mul3A_10 = arith.muli %arg1, %mul3A_9 : i32
    "tpu.region"() ({
      %run_scoped3A = tpu.sem_alloc : memref<!tpu.dma_semaphore, #tpu.memory_space<semaphore_mem>>
      %dma_start3A_38 = tpu.memref_slice %arg3[%add3A] : memref<320000xi32, #tpu.memory_space<hbm>> -> memref<128xi32, #tpu.memory_space<hbm>>
      %dma_start3A_39 = tpu.memref_slice %arg3[%add3A] : memref<320000xi32, #tpu.memory_space<hbm>> -> memref<128xi32, #tpu.memory_space<hbm>>
      tpu.enqueue_dma source(%dma_start3A_39 : memref<128xi32, #tpu.memory_space<hbm>>) target(%arg7 : memref<128xi32, #tpu.memory_space<vmem>>) target_semaphore(%run_scoped3A : memref<!tpu.dma_semaphore, #tpu.memory_space<semaphore_mem>>)
      %dma_wait3A_40 = tpu.memref_slice %arg3[%add3A] : memref<320000xi32, #tpu.memory_space<hbm>> -> memref<128xi32, #tpu.memory_space<hbm>>
      %dma_wait3A_41 = tpu.memref_slice %arg3[%add3A] : memref<320000xi32, #tpu.memory_space<hbm>> -> memref<128xi32, #tpu.memory_space<hbm>>
      tpu.wait_dma2 semaphore(%run_scoped3A : memref<!tpu.dma_semaphore, #tpu.memory_space<semaphore_mem>>) src(%dma_wait3A_41 : memref<128xi32, #tpu.memory_space<hbm>>) dst(%arg7 : memref<128xi32, #tpu.memory_space<vmem>>)
      tpu.yield
    }) : () -> ()
    "tpu.region"() ({
      %run_scoped3A = tpu.sem_alloc : memref<!tpu.dma_semaphore, #tpu.memory_space<semaphore_mem>>
      %dma_start3A_38 = tpu.memref_slice %arg4[%mul3A_10] : memref<160000xi32, #tpu.memory_space<hbm>> -> memref<128xi32, #tpu.memory_space<hbm>>
      %dma_start3A_39 = tpu.memref_slice %arg4[%mul3A_10] : memref<160000xi32, #tpu.memory_space<hbm>> -> memref<128xi32, #tpu.memory_space<hbm>>
      tpu.enqueue_dma source(%dma_start3A_39 : memref<128xi32, #tpu.memory_space<hbm>>) target(%arg8 : memref<128xi32, #tpu.memory_space<vmem>>) target_semaphore(%run_scoped3A : memref<!tpu.dma_semaphore, #tpu.memory_space<semaphore_mem>>)
      %dma_wait3A_40 = tpu.memref_slice %arg4[%mul3A_10] : memref<160000xi32, #tpu.memory_space<hbm>> -> memref<128xi32, #tpu.memory_space<hbm>>
      %dma_wait3A_41 = tpu.memref_slice %arg4[%mul3A_10] : memref<160000xi32, #tpu.memory_space<hbm>> -> memref<128xi32, #tpu.memory_space<hbm>>
      tpu.wait_dma2 semaphore(%run_scoped3A : memref<!tpu.dma_semaphore, #tpu.memory_space<semaphore_mem>>) src(%dma_wait3A_41 : memref<128xi32, #tpu.memory_space<hbm>>) dst(%arg8 : memref<128xi32, #tpu.memory_space<vmem>>)
      tpu.yield
    }) : () -> ()
    %dma_start3A = arith.constant 0 : i32
    %dma_start3A_11 = arith.constant 0 : i32
    %dma_start3A_12 = tpu.memref_slice %arg2[%dma_start3A, %dma_start3A_11] : memref<20000x128xf32, #tpu.memory_space<hbm>> -> memref<20000x128xf32, #tpu.memory_space<hbm>>
    tpu.enqueue_indirect_dma source(%dma_start3A_12 : memref<20000x128xf32, #tpu.memory_space<hbm>>) target(%arg13 : memref<128x128xf32, #tpu.memory_space<vmem>>) offsets(%arg7 : memref<128xi32, #tpu.memory_space<vmem>>) semaphore(%arg17 : memref<!tpu.dma_semaphore, #tpu.memory_space<semaphore_mem>>)
    %scan3A = arith.constant 0 : i32
    %scan3A_13 = arith.constant 0 : i32
    %scan3A_14 = arith.constant 39 : i32
    %scan3A_15 = arith.addi %scan3A_13, %scan3A_14 : i32
    %scan3A_16 = arith.constant 1 : i32
    scf.for %scan3A_38 = %scan3A_13 to %scan3A_15 step %scan3A_16  : i32 {
      %mul3A_39 = arith.constant 2 : i32
      %mul3A_40 = arith.muli %mul3A_39, %scan3A_38 : i32
      %add3A_41 = arith.constant 1 : i32
      %add3A_42 = arith.addi %mul3A_40, %add3A_41 : i32
      %mul3A_43 = arith.constant 128 : i32
      %mul3A_44 = arith.muli %add3A_42, %mul3A_43 : i32
      %add3A_45 = arith.addi %add3A, %mul3A_44 : i32
      "tpu.region"() ({
        %run_scoped3A = tpu.sem_alloc : memref<!tpu.dma_semaphore, #tpu.memory_space<semaphore_mem>>
        %dma_start3A_61 = tpu.memref_slice %arg3[%add3A_45] : memref<320000xi32, #tpu.memory_space<hbm>> -> memref<128xi32, #tpu.memory_space<hbm>>
        %dma_start3A_62 = tpu.memref_slice %arg3[%add3A_45] : memref<320000xi32, #tpu.memory_space<hbm>> -> memref<128xi32, #tpu.memory_space<hbm>>
        tpu.enqueue_dma source(%dma_start3A_62 : memref<128xi32, #tpu.memory_space<hbm>>) target(%arg9 : memref<128xi32, #tpu.memory_space<vmem>>) target_semaphore(%run_scoped3A : memref<!tpu.dma_semaphore, #tpu.memory_space<semaphore_mem>>)
        %dma_wait3A_63 = tpu.memref_slice %arg3[%add3A_45] : memref<320000xi32, #tpu.memory_space<hbm>> -> memref<128xi32, #tpu.memory_space<hbm>>
        %dma_wait3A_64 = tpu.memref_slice %arg3[%add3A_45] : memref<320000xi32, #tpu.memory_space<hbm>> -> memref<128xi32, #tpu.memory_space<hbm>>
        tpu.wait_dma2 semaphore(%run_scoped3A : memref<!tpu.dma_semaphore, #tpu.memory_space<semaphore_mem>>) src(%dma_wait3A_64 : memref<128xi32, #tpu.memory_space<hbm>>) dst(%arg9 : memref<128xi32, #tpu.memory_space<vmem>>)
        tpu.yield
      }) : () -> ()
      %add3A_46 = arith.addi %mul3A_10, %mul3A_44 : i32
      "tpu.region"() ({
        %run_scoped3A = tpu.sem_alloc : memref<!tpu.dma_semaphore, #tpu.memory_space<semaphore_mem>>
        %dma_start3A_61 = tpu.memref_slice %arg4[%add3A_46] : memref<160000xi32, #tpu.memory_space<hbm>> -> memref<128xi32, #tpu.memory_space<hbm>>
        %dma_start3A_62 = tpu.memref_slice %arg4[%add3A_46] : memref<160000xi32, #tpu.memory_space<hbm>> -> memref<128xi32, #tpu.memory_space<hbm>>
        tpu.enqueue_dma source(%dma_start3A_62 : memref<128xi32, #tpu.memory_space<hbm>>) target(%arg10 : memref<128xi32, #tpu.memory_space<vmem>>) target_semaphore(%run_scoped3A : memref<!tpu.dma_semaphore, #tpu.memory_space<semaphore_mem>>)
        %dma_wait3A_63 = tpu.memref_slice %arg4[%add3A_46] : memref<160000xi32, #tpu.memory_space<hbm>> -> memref<128xi32, #tpu.memory_space<hbm>>
        %dma_wait3A_64 = tpu.memref_slice %arg4[%add3A_46] : memref<160000xi32, #tpu.memory_space<hbm>> -> memref<128xi32, #tpu.memory_space<hbm>>
        tpu.wait_dma2 semaphore(%run_scoped3A : memref<!tpu.dma_semaphore, #tpu.memory_space<semaphore_mem>>) src(%dma_wait3A_64 : memref<128xi32, #tpu.memory_space<hbm>>) dst(%arg10 : memref<128xi32, #tpu.memory_space<vmem>>)
        tpu.yield
      }) : () -> ()
      %dma_start3A_47 = arith.constant 0 : i32
      %dma_start3A_48 = arith.constant 0 : i32
      %dma_start3A_49 = tpu.memref_slice %arg2[%dma_start3A_47, %dma_start3A_48] : memref<20000x128xf32, #tpu.memory_space<hbm>> -> memref<20000x128xf32, #tpu.memory_space<hbm>>
      tpu.enqueue_indirect_dma source(%dma_start3A_49 : memref<20000x128xf32, #tpu.memory_space<hbm>>) target(%arg14 : memref<128x128xf32, #tpu.memory_space<vmem>>) offsets(%arg9 : memref<128xi32, #tpu.memory_space<vmem>>) semaphore(%arg18 : memref<!tpu.dma_semaphore, #tpu.memory_space<semaphore_mem>>)
      %dma_wait3A_50 = arith.constant 0 : i32
      %dma_wait3A_51 = arith.constant 0 : i32
      %dma_wait3A_52 = tpu.memref_slice %arg2[%dma_wait3A_50, %dma_wait3A_51] : memref<20000x128xf32, #tpu.memory_space<hbm>> -> memref<20000x128xf32, #tpu.memory_space<hbm>>
      tpu.wait_indirect_dma semaphore(%arg17 : memref<!tpu.dma_semaphore, #tpu.memory_space<semaphore_mem>>) src(%dma_wait3A_52 : memref<20000x128xf32, #tpu.memory_space<hbm>>) dst(%arg13 : memref<128x128xf32, #tpu.memory_space<vmem>>)
      "tpu.region"() ({
        %run_scoped3A = tpu.sem_alloc : memref<!tpu.dma_semaphore, #tpu.memory_space<semaphore_mem>>
        %dma_start3A_61 = arith.constant 0 : i32
        %dma_start3A_62 = arith.constant 0 : i32
        %dma_start3A_63 = tpu.memref_slice %arg16[%dma_start3A_61, %dma_start3A_62] : memref<10000x128xf32, #tpu.memory_space<vmem_shared>> -> memref<10000x128xf32, #tpu.memory_space<vmem_shared>>
        tpu.enqueue_indirect_dma source(%arg13 : memref<128x128xf32, #tpu.memory_space<vmem>>) target(%dma_start3A_63 : memref<10000x128xf32, #tpu.memory_space<vmem_shared>>) offsets(%arg8 : memref<128xi32, #tpu.memory_space<vmem>>) semaphore(%run_scoped3A : memref<!tpu.dma_semaphore, #tpu.memory_space<semaphore_mem>>) {add = true}
        %dma_wait3A_64 = arith.constant 0 : i32
        %dma_wait3A_65 = arith.constant 0 : i32
        %dma_wait3A_66 = tpu.memref_slice %arg16[%dma_wait3A_64, %dma_wait3A_65] : memref<10000x128xf32, #tpu.memory_space<vmem_shared>> -> memref<10000x128xf32, #tpu.memory_space<vmem_shared>>
        tpu.wait_indirect_dma semaphore(%run_scoped3A : memref<!tpu.dma_semaphore, #tpu.memory_space<semaphore_mem>>) src(%arg13 : memref<128x128xf32, #tpu.memory_space<vmem>>) dst(%dma_wait3A_66 : memref<10000x128xf32, #tpu.memory_space<vmem_shared>>)
        tpu.yield
      }) : () -> ()
      %lt3A_53 = arith.constant 38 : i32
      %lt3A_54 = arith.cmpi slt, %scan3A_38, %lt3A_53 : i32
      %convert_element_type3A_55 = arith.extui %lt3A_54 : i1 to i32
      %cond3A_56 = arith.constant 0 : i32
      %cond3A_57 = arith.cmpi ne, %convert_element_type3A_55, %cond3A_56 : i32
      scf.if %cond3A_57 {
        %mul3A_61 = arith.constant 2 : i32
        %mul3A_62 = arith.muli %mul3A_61, %scan3A_38 : i32
        %add3A_63 = arith.constant 2 : i32
        %add3A_64 = arith.addi %mul3A_62, %add3A_63 : i32
        %mul3A_65 = arith.constant 128 : i32
        %mul3A_66 = arith.muli %add3A_64, %mul3A_65 : i32
        %add3A_67 = arith.addi %add3A, %mul3A_66 : i32
        "tpu.region"() ({
          %run_scoped3A = tpu.sem_alloc : memref<!tpu.dma_semaphore, #tpu.memory_space<semaphore_mem>>
          %dma_start3A_72 = tpu.memref_slice %arg3[%add3A_67] : memref<320000xi32, #tpu.memory_space<hbm>> -> memref<128xi32, #tpu.memory_space<hbm>>
          %dma_start3A_73 = tpu.memref_slice %arg3[%add3A_67] : memref<320000xi32, #tpu.memory_space<hbm>> -> memref<128xi32, #tpu.memory_space<hbm>>
          tpu.enqueue_dma source(%dma_start3A_73 : memref<128xi32, #tpu.memory_space<hbm>>) target(%arg7 : memref<128xi32, #tpu.memory_space<vmem>>) target_semaphore(%run_scoped3A : memref<!tpu.dma_semaphore, #tpu.memory_space<semaphore_mem>>)
          %dma_wait3A_74 = tpu.memref_slice %arg3[%add3A_67] : memref<320000xi32, #tpu.memory_space<hbm>> -> memref<128xi32, #tpu.memory_space<hbm>>
          %dma_wait3A_75 = tpu.memref_slice %arg3[%add3A_67] : memref<320000xi32, #tpu.memory_space<hbm>> -> memref<128xi32, #tpu.memory_space<hbm>>
          tpu.wait_dma2 semaphore(%run_scoped3A : memref<!tpu.dma_semaphore, #tpu.memory_space<semaphore_mem>>) src(%dma_wait3A_75 : memref<128xi32, #tpu.memory_space<hbm>>) dst(%arg7 : memref<128xi32, #tpu.memory_space<vmem>>)
          tpu.yield
        }) : () -> ()
        %add3A_68 = arith.addi %mul3A_10, %mul3A_66 : i32
        "tpu.region"() ({
          %run_scoped3A = tpu.sem_alloc : memref<!tpu.dma_semaphore, #tpu.memory_space<semaphore_mem>>
          %dma_start3A_72 = tpu.memref_slice %arg4[%add3A_68] : memref<160000xi32, #tpu.memory_space<hbm>> -> memref<128xi32, #tpu.memory_space<hbm>>
          %dma_start3A_73 = tpu.memref_slice %arg4[%add3A_68] : memref<160000xi32, #tpu.memory_space<hbm>> -> memref<128xi32, #tpu.memory_space<hbm>>
          tpu.enqueue_dma source(%dma_start3A_73 : memref<128xi32, #tpu.memory_space<hbm>>) target(%arg8 : memref<128xi32, #tpu.memory_space<vmem>>) target_semaphore(%run_scoped3A : memref<!tpu.dma_semaphore, #tpu.memory_space<semaphore_mem>>)
          %dma_wait3A_74 = tpu.memref_slice %arg4[%add3A_68] : memref<160000xi32, #tpu.memory_space<hbm>> -> memref<128xi32, #tpu.memory_space<hbm>>
          %dma_wait3A_75 = tpu.memref_slice %arg4[%add3A_68] : memref<160000xi32, #tpu.memory_space<hbm>> -> memref<128xi32, #tpu.memory_space<hbm>>
          tpu.wait_dma2 semaphore(%run_scoped3A : memref<!tpu.dma_semaphore, #tpu.memory_space<semaphore_mem>>) src(%dma_wait3A_75 : memref<128xi32, #tpu.memory_space<hbm>>) dst(%arg8 : memref<128xi32, #tpu.memory_space<vmem>>)
          tpu.yield
        }) : () -> ()
        %dma_start3A_69 = arith.constant 0 : i32
        %dma_start3A_70 = arith.constant 0 : i32
        %dma_start3A_71 = tpu.memref_slice %arg2[%dma_start3A_69, %dma_start3A_70] : memref<20000x128xf32, #tpu.memory_space<hbm>> -> memref<20000x128xf32, #tpu.memory_space<hbm>>
        tpu.enqueue_indirect_dma source(%dma_start3A_71 : memref<20000x128xf32, #tpu.memory_space<hbm>>) target(%arg13 : memref<128x128xf32, #tpu.memory_space<vmem>>) offsets(%arg7 : memref<128xi32, #tpu.memory_space<vmem>>) semaphore(%arg17 : memref<!tpu.dma_semaphore, #tpu.memory_space<semaphore_mem>>)
      } else {
      }
      %dma_wait3A_58 = arith.constant 0 : i32
      %dma_wait3A_59 = arith.constant 0 : i32
      %dma_wait3A_60 = tpu.memref_slice %arg2[%dma_wait3A_58, %dma_wait3A_59] : memref<20000x128xf32, #tpu.memory_space<hbm>> -> memref<20000x128xf32, #tpu.memory_space<hbm>>
      tpu.wait_indirect_dma semaphore(%arg18 : memref<!tpu.dma_semaphore, #tpu.memory_space<semaphore_mem>>) src(%dma_wait3A_60 : memref<20000x128xf32, #tpu.memory_space<hbm>>) dst(%arg14 : memref<128x128xf32, #tpu.memory_space<vmem>>)
      "tpu.region"() ({
        %run_scoped3A = tpu.sem_alloc : memref<!tpu.dma_semaphore, #tpu.memory_space<semaphore_mem>>
        %dma_start3A_61 = arith.constant 0 : i32
        %dma_start3A_62 = arith.constant 0 : i32
        %dma_start3A_63 = tpu.memref_slice %arg16[%dma_start3A_61, %dma_start3A_62] : memref<10000x128xf32, #tpu.memory_space<vmem_shared>> -> memref<10000x128xf32, #tpu.memory_space<vmem_shared>>
        tpu.enqueue_indirect_dma source(%arg14 : memref<128x128xf32, #tpu.memory_space<vmem>>) target(%dma_start3A_63 : memref<10000x128xf32, #tpu.memory_space<vmem_shared>>) offsets(%arg10 : memref<128xi32, #tpu.memory_space<vmem>>) semaphore(%run_scoped3A : memref<!tpu.dma_semaphore, #tpu.memory_space<semaphore_mem>>) {add = true}
        %dma_wait3A_64 = arith.constant 0 : i32
        %dma_wait3A_65 = arith.constant 0 : i32
        %dma_wait3A_66 = tpu.memref_slice %arg16[%dma_wait3A_64, %dma_wait3A_65] : memref<10000x128xf32, #tpu.memory_space<vmem_shared>> -> memref<10000x128xf32, #tpu.memory_space<vmem_shared>>
        tpu.wait_indirect_dma semaphore(%run_scoped3A : memref<!tpu.dma_semaphore, #tpu.memory_space<semaphore_mem>>) src(%arg14 : memref<128x128xf32, #tpu.memory_space<vmem>>) dst(%dma_wait3A_66 : memref<10000x128xf32, #tpu.memory_space<vmem_shared>>)
        tpu.yield
      }) : () -> ()
    }
    %scan3A_17 = arith.constant 39 : i32
    %add3A_18 = arith.constant 9984 : i32
    %add3A_19 = arith.addi %add3A, %add3A_18 : i32
    "tpu.region"() ({
      %run_scoped3A = tpu.sem_alloc : memref<!tpu.dma_semaphore, #tpu.memory_space<semaphore_mem>>
      %dma_start3A_38 = tpu.memref_slice %arg3[%add3A_19] : memref<320000xi32, #tpu.memory_space<hbm>> -> memref<16xi32, #tpu.memory_space<hbm>>
      %dma_start3A_39 = tpu.memref_slice %arg3[%add3A_19] : memref<320000xi32, #tpu.memory_space<hbm>> -> memref<16xi32, #tpu.memory_space<hbm>>
      tpu.enqueue_dma source(%dma_start3A_39 : memref<16xi32, #tpu.memory_space<hbm>>) target(%arg11 : memref<16xi32, #tpu.memory_space<vmem>>) target_semaphore(%run_scoped3A : memref<!tpu.dma_semaphore, #tpu.memory_space<semaphore_mem>>)
      %dma_wait3A_40 = tpu.memref_slice %arg3[%add3A_19] : memref<320000xi32, #tpu.memory_space<hbm>> -> memref<16xi32, #tpu.memory_space<hbm>>
      %dma_wait3A_41 = tpu.memref_slice %arg3[%add3A_19] : memref<320000xi32, #tpu.memory_space<hbm>> -> memref<16xi32, #tpu.memory_space<hbm>>
      tpu.wait_dma2 semaphore(%run_scoped3A : memref<!tpu.dma_semaphore, #tpu.memory_space<semaphore_mem>>) src(%dma_wait3A_41 : memref<16xi32, #tpu.memory_space<hbm>>) dst(%arg11 : memref<16xi32, #tpu.memory_space<vmem>>)
      tpu.yield
    }) : () -> ()
    %add3A_20 = arith.constant 9984 : i32
    %add3A_21 = arith.addi %mul3A_10, %add3A_20 : i32
    "tpu.region"() ({
      %run_scoped3A = tpu.sem_alloc : memref<!tpu.dma_semaphore, #tpu.memory_space<semaphore_mem>>
      %dma_start3A_38 = tpu.memref_slice %arg4[%add3A_21] : memref<160000xi32, #tpu.memory_space<hbm>> -> memref<16xi32, #tpu.memory_space<hbm>>
      %dma_start3A_39 = tpu.memref_slice %arg4[%add3A_21] : memref<160000xi32, #tpu.memory_space<hbm>> -> memref<16xi32, #tpu.memory_space<hbm>>
      tpu.enqueue_dma source(%dma_start3A_39 : memref<16xi32, #tpu.memory_space<hbm>>) target(%arg12 : memref<16xi32, #tpu.memory_space<vmem>>) target_semaphore(%run_scoped3A : memref<!tpu.dma_semaphore, #tpu.memory_space<semaphore_mem>>)
      %dma_wait3A_40 = tpu.memref_slice %arg4[%add3A_21] : memref<160000xi32, #tpu.memory_space<hbm>> -> memref<16xi32, #tpu.memory_space<hbm>>
      %dma_wait3A_41 = tpu.memref_slice %arg4[%add3A_21] : memref<160000xi32, #tpu.memory_space<hbm>> -> memref<16xi32, #tpu.memory_space<hbm>>
      tpu.wait_dma2 semaphore(%run_scoped3A : memref<!tpu.dma_semaphore, #tpu.memory_space<semaphore_mem>>) src(%dma_wait3A_41 : memref<16xi32, #tpu.memory_space<hbm>>) dst(%arg12 : memref<16xi32, #tpu.memory_space<vmem>>)
      tpu.yield
    }) : () -> ()
    %dma_start3A_22 = arith.constant 0 : i32
    %dma_start3A_23 = arith.constant 0 : i32
    %dma_start3A_24 = tpu.memref_slice %arg2[%dma_start3A_22, %dma_start3A_23] : memref<20000x128xf32, #tpu.memory_space<hbm>> -> memref<20000x128xf32, #tpu.memory_space<hbm>>
    tpu.enqueue_indirect_dma source(%dma_start3A_24 : memref<20000x128xf32, #tpu.memory_space<hbm>>) target(%arg15 : memref<16x128xf32, #tpu.memory_space<vmem>>) offsets(%arg11 : memref<16xi32, #tpu.memory_space<vmem>>) semaphore(%arg17 : memref<!tpu.dma_semaphore, #tpu.memory_space<semaphore_mem>>)
    %dma_wait3A = arith.constant 0 : i32
    %dma_wait3A_25 = arith.constant 0 : i32
    %dma_wait3A_26 = tpu.memref_slice %arg2[%dma_wait3A, %dma_wait3A_25] : memref<20000x128xf32, #tpu.memory_space<hbm>> -> memref<20000x128xf32, #tpu.memory_space<hbm>>
    tpu.wait_indirect_dma semaphore(%arg17 : memref<!tpu.dma_semaphore, #tpu.memory_space<semaphore_mem>>) src(%dma_wait3A_26 : memref<20000x128xf32, #tpu.memory_space<hbm>>) dst(%arg15 : memref<16x128xf32, #tpu.memory_space<vmem>>)
    "tpu.region"() ({
      %run_scoped3A = tpu.sem_alloc : memref<!tpu.dma_semaphore, #tpu.memory_space<semaphore_mem>>
      %dma_start3A_38 = arith.constant 0 : i32
      %dma_start3A_39 = arith.constant 0 : i32
      %dma_start3A_40 = tpu.memref_slice %arg16[%dma_start3A_38, %dma_start3A_39] : memref<10000x128xf32, #tpu.memory_space<vmem_shared>> -> memref<10000x128xf32, #tpu.memory_space<vmem_shared>>
      tpu.enqueue_indirect_dma source(%arg15 : memref<16x128xf32, #tpu.memory_space<vmem>>) target(%dma_start3A_40 : memref<10000x128xf32, #tpu.memory_space<vmem_shared>>) offsets(%arg12 : memref<16xi32, #tpu.memory_space<vmem>>) semaphore(%run_scoped3A : memref<!tpu.dma_semaphore, #tpu.memory_space<semaphore_mem>>) {add = true}
      %dma_wait3A_41 = arith.constant 0 : i32
      %dma_wait3A_42 = arith.constant 0 : i32
      %dma_wait3A_43 = tpu.memref_slice %arg16[%dma_wait3A_41, %dma_wait3A_42] : memref<10000x128xf32, #tpu.memory_space<vmem_shared>> -> memref<10000x128xf32, #tpu.memory_space<vmem_shared>>
      tpu.wait_indirect_dma semaphore(%run_scoped3A : memref<!tpu.dma_semaphore, #tpu.memory_space<semaphore_mem>>) src(%arg15 : memref<16x128xf32, #tpu.memory_space<vmem>>) dst(%dma_wait3A_43 : memref<10000x128xf32, #tpu.memory_space<vmem_shared>>)
      tpu.yield
    }) : () -> ()
    %barrier3A_27 = arith.constant 0 : index
    tpu.barrier barrier_id(%barrier3A_27)
    %lt3A_28 = arith.constant 15 : i32
    %lt3A_29 = arith.cmpi slt, %arg1, %lt3A_28 : i32
    %convert_element_type3A_30 = arith.extui %lt3A_29 : i1 to i32
    %cond3A_31 = arith.constant 0 : i32
    %cond3A_32 = arith.cmpi ne, %convert_element_type3A_30, %cond3A_31 : i32
    scf.if %cond3A_32 {
      %mul3A_38 = arith.constant 624 : i32
      %mul3A_39 = arith.muli %arg1, %mul3A_38 : i32
      %mul3A_40 = arith.constant 10000 : i32
      %mul3A_41 = arith.muli %arg0, %mul3A_40 : i32
      %add3A_42 = arith.addi %mul3A_41, %mul3A_39 : i32
      "tpu.region"() ({
        %run_scoped3A = tpu.sem_alloc : memref<!tpu.dma_semaphore, #tpu.memory_space<semaphore_mem>>
        %dma_start3A_43 = arith.constant 0 : i32
        %dma_start3A_44 = tpu.memref_slice %arg6[%add3A_42, %dma_start3A_43] : memref<20000x128xf32, #tpu.memory_space<hbm>> -> memref<624x128xf32, #tpu.memory_space<hbm>>
        %dma_start3A_45 = arith.constant 0 : i32
        %dma_start3A_46 = tpu.memref_slice %arg16[%mul3A_39, %dma_start3A_45] : memref<10000x128xf32, #tpu.memory_space<vmem_shared>> -> memref<624x128xf32, #tpu.memory_space<vmem_shared>>
        tpu.enqueue_dma source(%dma_start3A_46 : memref<624x128xf32, #tpu.memory_space<vmem_shared>>) target(%dma_start3A_44 : memref<624x128xf32, #tpu.memory_space<hbm>>) target_semaphore(%run_scoped3A : memref<!tpu.dma_semaphore, #tpu.memory_space<semaphore_mem>>)
        %dma_wait3A_47 = arith.constant 0 : i32
        %dma_wait3A_48 = tpu.memref_slice %arg6[%add3A_42, %dma_wait3A_47] : memref<20000x128xf32, #tpu.memory_space<hbm>> -> memref<624x128xf32, #tpu.memory_space<hbm>>
        %dma_wait3A_49 = arith.constant 0 : i32
        %dma_wait3A_50 = tpu.memref_slice %arg16[%mul3A_39, %dma_wait3A_49] : memref<10000x128xf32, #tpu.memory_space<vmem_shared>> -> memref<624x128xf32, #tpu.memory_space<vmem_shared>>
        tpu.wait_dma2 semaphore(%run_scoped3A : memref<!tpu.dma_semaphore, #tpu.memory_space<semaphore_mem>>) src(%dma_wait3A_50 : memref<624x128xf32, #tpu.memory_space<vmem_shared>>) dst(%dma_wait3A_48 : memref<624x128xf32, #tpu.memory_space<hbm>>)
        tpu.yield
      }) : () -> ()
    } else {
    }
    %eq3A_33 = arith.constant 15 : i32
    %eq3A_34 = arith.cmpi eq, %arg1, %eq3A_33 : i32
    %convert_element_type3A_35 = arith.extui %eq3A_34 : i1 to i32
    %cond3A_36 = arith.constant 0 : i32
    %cond3A_37 = arith.cmpi ne, %convert_element_type3A_35, %cond3A_36 : i32
    scf.if %cond3A_37 {
      %mul3A_38 = arith.constant 10000 : i32
      %mul3A_39 = arith.muli %arg0, %mul3A_38 : i32
      %add3A_40 = arith.constant 9360 : i32
      %add3A_41 = arith.addi %mul3A_39, %add3A_40 : i32
      "tpu.region"() ({
        %run_scoped3A = tpu.sem_alloc : memref<!tpu.dma_semaphore, #tpu.memory_space<semaphore_mem>>
        %dma_start3A_42 = arith.constant 0 : i32
        %dma_start3A_43 = tpu.memref_slice %arg6[%add3A_41, %dma_start3A_42] : memref<20000x128xf32, #tpu.memory_space<hbm>> -> memref<640x128xf32, #tpu.memory_space<hbm>>
        %dma_start3A_44 = arith.constant 9360 : i32
        %dma_start3A_45 = arith.constant 0 : i32
        %dma_start3A_46 = tpu.memref_slice %arg16[%dma_start3A_44, %dma_start3A_45] : memref<10000x128xf32, #tpu.memory_space<vmem_shared>> -> memref<640x128xf32, #tpu.memory_space<vmem_shared>>
        tpu.enqueue_dma source(%dma_start3A_46 : memref<640x128xf32, #tpu.memory_space<vmem_shared>>) target(%dma_start3A_43 : memref<640x128xf32, #tpu.memory_space<hbm>>) target_semaphore(%run_scoped3A : memref<!tpu.dma_semaphore, #tpu.memory_space<semaphore_mem>>)
        %dma_wait3A_47 = arith.constant 0 : i32
        %dma_wait3A_48 = tpu.memref_slice %arg6[%add3A_41, %dma_wait3A_47] : memref<20000x128xf32, #tpu.memory_space<hbm>> -> memref<640x128xf32, #tpu.memory_space<hbm>>
        %dma_wait3A_49 = arith.constant 9360 : i32
        %dma_wait3A_50 = arith.constant 0 : i32
        %dma_wait3A_51 = tpu.memref_slice %arg16[%dma_wait3A_49, %dma_wait3A_50] : memref<10000x128xf32, #tpu.memory_space<vmem_shared>> -> memref<640x128xf32, #tpu.memory_space<vmem_shared>>
        tpu.wait_dma2 semaphore(%run_scoped3A : memref<!tpu.dma_semaphore, #tpu.memory_space<semaphore_mem>>) src(%dma_wait3A_51 : memref<640x128xf32, #tpu.memory_space<vmem_shared>>) dst(%dma_wait3A_48 : memref<640x128xf32, #tpu.memory_space<hbm>>)
        tpu.yield
      }) : () -> ()
    } else {
    }
    return
  }
}

#map = affine_map<(d0, d1) -> (0, 0)>
#map1 = affine_map<(d0, d1) -> (0)>
module attributes {stable_mosaic.version = 14 : i64} {
  func.func @_sc_agg_deg(%arg0: i32, %arg1: i32, %arg2: memref<20000x128xf32, #tpu.memory_space<hbm>>, %arg3: memref<320000xi32, #tpu.memory_space<hbm>>, %arg4: memref<160000xi32, #tpu.memory_space<hbm>>, %arg5: memref<640x128xf32, #tpu.memory_space<hbm>>, %arg6: memref<128x128xf32, #tpu.memory_space<hbm>>, %arg7: memref<20000x128xf32, #tpu.memory_space<hbm>>, %arg8: memref<20000x128xf32, #tpu.memory_space<hbm>>, %arg9: memref<128xi32, #tpu.memory_space<vmem>>, %arg10: memref<128xi32, #tpu.memory_space<vmem>>, %arg11: memref<128xi32, #tpu.memory_space<vmem>>, %arg12: memref<128xi32, #tpu.memory_space<vmem>>, %arg13: memref<16xi32, #tpu.memory_space<vmem>>, %arg14: memref<16xi32, #tpu.memory_space<vmem>>, %arg15: memref<8xi32, #tpu.memory_space<vmem>>, %arg16: memref<128x128xf32, #tpu.memory_space<vmem>>, %arg17: memref<128x128xf32, #tpu.memory_space<vmem>>, %arg18: memref<16x128xf32, #tpu.memory_space<vmem>>, %arg19: memref<10000x128xf32, #tpu.memory_space<vmem_shared>>, %arg20: memref<!tpu.dma_semaphore, #tpu.memory_space<semaphore_mem>>, %arg21: memref<!tpu.dma_semaphore, #tpu.memory_space<semaphore_mem>>) attributes {dimension_semantics = [#tpu.dimension_semantics<core_parallel>, #tpu.dimension_semantics<subcore_parallel>], iteration_bounds = array<i64: 2, 16>, scalar_prefetch = 0 : i64, scratch_operands = 13 : i64, tpu.core_type = #tpu.core_type<sc_vector_subcore>, window_params = [{transform_indices = #map}, {transform_indices = #map1}, {transform_indices = #map1}, {transform_indices = #map}, {transform_indices = #map}, {transform_indices = #map}, {transform_indices = #map}]} {
    %lt3A = arith.constant 15 : i32
    %lt3A_0 = arith.cmpi slt, %arg1, %lt3A : i32
    %convert_element_type3A = arith.extui %lt3A_0 : i1 to i32
    %cond3A = arith.constant 0 : i32
    %cond3A_1 = arith.cmpi ne, %convert_element_type3A, %cond3A : i32
    scf.if %cond3A_1 {
      %mul3A_73 = arith.constant 624 : i32
      %mul3A_74 = arith.muli %arg1, %mul3A_73 : i32
      "tpu.region"() ({
        %run_scoped3A = tpu.sem_alloc : memref<!tpu.dma_semaphore, #tpu.memory_space<semaphore_mem>>
        %dma_start3A_75 = arith.constant 0 : i32
        %dma_start3A_76 = tpu.memref_slice %arg19[%mul3A_74, %dma_start3A_75] : memref<10000x128xf32, #tpu.memory_space<vmem_shared>> -> memref<624x128xf32, #tpu.memory_space<vmem_shared>>
        %dma_start3A_77 = arith.constant 0 : i32
        %dma_start3A_78 = arith.constant 0 : i32
        %dma_start3A_79 = tpu.memref_slice %arg5[%dma_start3A_77, %dma_start3A_78] : memref<640x128xf32, #tpu.memory_space<hbm>> -> memref<624x128xf32, #tpu.memory_space<hbm>>
        tpu.enqueue_dma source(%dma_start3A_79 : memref<624x128xf32, #tpu.memory_space<hbm>>) target(%dma_start3A_76 : memref<624x128xf32, #tpu.memory_space<vmem_shared>>) target_semaphore(%run_scoped3A : memref<!tpu.dma_semaphore, #tpu.memory_space<semaphore_mem>>)
        %dma_wait3A_80 = arith.constant 0 : i32
        %dma_wait3A_81 = tpu.memref_slice %arg19[%mul3A_74, %dma_wait3A_80] : memref<10000x128xf32, #tpu.memory_space<vmem_shared>> -> memref<624x128xf32, #tpu.memory_space<vmem_shared>>
        %dma_wait3A_82 = arith.constant 0 : i32
        %dma_wait3A_83 = arith.constant 0 : i32
        %dma_wait3A_84 = tpu.memref_slice %arg5[%dma_wait3A_82, %dma_wait3A_83] : memref<640x128xf32, #tpu.memory_space<hbm>> -> memref<624x128xf32, #tpu.memory_space<hbm>>
        tpu.wait_dma2 semaphore(%run_scoped3A : memref<!tpu.dma_semaphore, #tpu.memory_space<semaphore_mem>>) src(%dma_wait3A_84 : memref<624x128xf32, #tpu.memory_space<hbm>>) dst(%dma_wait3A_81 : memref<624x128xf32, #tpu.memory_space<vmem_shared>>)
        tpu.yield
      }) : () -> ()
    } else {
    }
    %eq3A = arith.constant 15 : i32
    %eq3A_2 = arith.cmpi eq, %arg1, %eq3A : i32
    %convert_element_type3A_3 = arith.extui %eq3A_2 : i1 to i32
    %cond3A_4 = arith.constant 0 : i32
    %cond3A_5 = arith.cmpi ne, %convert_element_type3A_3, %cond3A_4 : i32
    scf.if %cond3A_5 {
      "tpu.region"() ({
        %run_scoped3A = tpu.sem_alloc : memref<!tpu.dma_semaphore, #tpu.memory_space<semaphore_mem>>
        %dma_start3A_73 = arith.constant 9360 : i32
        %dma_start3A_74 = arith.constant 0 : i32
        %dma_start3A_75 = tpu.memref_slice %arg19[%dma_start3A_73, %dma_start3A_74] : memref<10000x128xf32, #tpu.memory_space<vmem_shared>> -> memref<640x128xf32, #tpu.memory_space<vmem_shared>>
        %dma_start3A_76 = arith.constant 0 : i32
        %dma_start3A_77 = arith.constant 0 : i32
        %dma_start3A_78 = tpu.memref_slice %arg5[%dma_start3A_76, %dma_start3A_77] : memref<640x128xf32, #tpu.memory_space<hbm>> -> memref<640x128xf32, #tpu.memory_space<hbm>>
        tpu.enqueue_dma source(%dma_start3A_78 : memref<640x128xf32, #tpu.memory_space<hbm>>) target(%dma_start3A_75 : memref<640x128xf32, #tpu.memory_space<vmem_shared>>) target_semaphore(%run_scoped3A : memref<!tpu.dma_semaphore, #tpu.memory_space<semaphore_mem>>)
        %dma_wait3A_79 = arith.constant 9360 : i32
        %dma_wait3A_80 = arith.constant 0 : i32
        %dma_wait3A_81 = tpu.memref_slice %arg19[%dma_wait3A_79, %dma_wait3A_80] : memref<10000x128xf32, #tpu.memory_space<vmem_shared>> -> memref<640x128xf32, #tpu.memory_space<vmem_shared>>
        %dma_wait3A_82 = arith.constant 0 : i32
        %dma_wait3A_83 = arith.constant 0 : i32
        %dma_wait3A_84 = tpu.memref_slice %arg5[%dma_wait3A_82, %dma_wait3A_83] : memref<640x128xf32, #tpu.memory_space<hbm>> -> memref<640x128xf32, #tpu.memory_space<hbm>>
        tpu.wait_dma2 semaphore(%run_scoped3A : memref<!tpu.dma_semaphore, #tpu.memory_space<semaphore_mem>>) src(%dma_wait3A_84 : memref<640x128xf32, #tpu.memory_space<hbm>>) dst(%dma_wait3A_81 : memref<640x128xf32, #tpu.memory_space<vmem_shared>>)
        tpu.yield
      }) : () -> ()
    } else {
    }
    "tpu.region"() ({
      %run_scoped3A = tpu.sem_alloc : memref<!tpu.dma_semaphore, #tpu.memory_space<semaphore_mem>>
      tpu.enqueue_dma source(%arg6 : memref<128x128xf32, #tpu.memory_space<hbm>>) target(%arg16 : memref<128x128xf32, #tpu.memory_space<vmem>>) target_semaphore(%run_scoped3A : memref<!tpu.dma_semaphore, #tpu.memory_space<semaphore_mem>>)
      tpu.wait_dma2 semaphore(%run_scoped3A : memref<!tpu.dma_semaphore, #tpu.memory_space<semaphore_mem>>) src(%arg6 : memref<128x128xf32, #tpu.memory_space<hbm>>) dst(%arg16 : memref<128x128xf32, #tpu.memory_space<vmem>>)
      tpu.yield
    }) : () -> ()
    %barrier3A = arith.constant 0 : index
    tpu.barrier barrier_id(%barrier3A)
    %mul3A = arith.constant 80000 : i32
    %mul3A_6 = arith.muli %arg0, %mul3A : i32
    %mul3A_7 = arith.constant 5000 : i32
    %mul3A_8 = arith.muli %arg1, %mul3A_7 : i32
    %add3A = arith.addi %mul3A_6, %mul3A_8 : i32
    %scan3A = arith.constant 0 : i32
    %scan3A_9 = arith.constant 0 : i32
    %scan3A_10 = arith.constant 39 : i32
    %scan3A_11 = arith.addi %scan3A_9, %scan3A_10 : i32
    %scan3A_12 = arith.constant 1 : i32
    scf.for %scan3A_73 = %scan3A_9 to %scan3A_11 step %scan3A_12  : i32 {
      %mul3A_74 = arith.constant 128 : i32
      %mul3A_75 = arith.muli %scan3A_73, %mul3A_74 : i32
      %add3A_76 = arith.addi %add3A, %mul3A_75 : i32
      "tpu.region"() ({
        %run_scoped3A = tpu.sem_alloc : memref<!tpu.dma_semaphore, #tpu.memory_space<semaphore_mem>>
        %dma_start3A_77 = tpu.memref_slice %arg4[%add3A_76] : memref<160000xi32, #tpu.memory_space<hbm>> -> memref<128xi32, #tpu.memory_space<hbm>>
        %dma_start3A_78 = tpu.memref_slice %arg4[%add3A_76] : memref<160000xi32, #tpu.memory_space<hbm>> -> memref<128xi32, #tpu.memory_space<hbm>>
        tpu.enqueue_dma source(%dma_start3A_78 : memref<128xi32, #tpu.memory_space<hbm>>) target(%arg10 : memref<128xi32, #tpu.memory_space<vmem>>) target_semaphore(%run_scoped3A : memref<!tpu.dma_semaphore, #tpu.memory_space<semaphore_mem>>)
        %dma_wait3A_79 = tpu.memref_slice %arg4[%add3A_76] : memref<160000xi32, #tpu.memory_space<hbm>> -> memref<128xi32, #tpu.memory_space<hbm>>
        %dma_wait3A_80 = tpu.memref_slice %arg4[%add3A_76] : memref<160000xi32, #tpu.memory_space<hbm>> -> memref<128xi32, #tpu.memory_space<hbm>>
        tpu.wait_dma2 semaphore(%run_scoped3A : memref<!tpu.dma_semaphore, #tpu.memory_space<semaphore_mem>>) src(%dma_wait3A_80 : memref<128xi32, #tpu.memory_space<hbm>>) dst(%arg10 : memref<128xi32, #tpu.memory_space<vmem>>)
        tpu.yield
      }) : () -> ()
      "tpu.region"() ({
        %run_scoped3A = tpu.sem_alloc : memref<!tpu.dma_semaphore, #tpu.memory_space<semaphore_mem>>
        %dma_start3A_77 = arith.constant 0 : i32
        %dma_start3A_78 = arith.constant 0 : i32
        %dma_start3A_79 = tpu.memref_slice %arg19[%dma_start3A_77, %dma_start3A_78] : memref<10000x128xf32, #tpu.memory_space<vmem_shared>> -> memref<10000x128xf32, #tpu.memory_space<vmem_shared>>
        tpu.enqueue_indirect_dma source(%arg16 : memref<128x128xf32, #tpu.memory_space<vmem>>) target(%dma_start3A_79 : memref<10000x128xf32, #tpu.memory_space<vmem_shared>>) offsets(%arg10 : memref<128xi32, #tpu.memory_space<vmem>>) semaphore(%run_scoped3A : memref<!tpu.dma_semaphore, #tpu.memory_space<semaphore_mem>>) {add = true}
        %dma_wait3A_80 = arith.constant 0 : i32
        %dma_wait3A_81 = arith.constant 0 : i32
        %dma_wait3A_82 = tpu.memref_slice %arg19[%dma_wait3A_80, %dma_wait3A_81] : memref<10000x128xf32, #tpu.memory_space<vmem_shared>> -> memref<10000x128xf32, #tpu.memory_space<vmem_shared>>
        tpu.wait_indirect_dma semaphore(%run_scoped3A : memref<!tpu.dma_semaphore, #tpu.memory_space<semaphore_mem>>) src(%arg16 : memref<128x128xf32, #tpu.memory_space<vmem>>) dst(%dma_wait3A_82 : memref<10000x128xf32, #tpu.memory_space<vmem_shared>>)
        tpu.yield
      }) : () -> ()
    }
    %scan3A_13 = arith.constant 39 : i32
    %add3A_14 = arith.constant 4992 : i32
    %add3A_15 = arith.addi %add3A, %add3A_14 : i32
    "tpu.region"() ({
      %run_scoped3A = tpu.sem_alloc : memref<!tpu.dma_semaphore, #tpu.memory_space<semaphore_mem>>
      %dma_start3A_73 = tpu.memref_slice %arg4[%add3A_15] : memref<160000xi32, #tpu.memory_space<hbm>> -> memref<8xi32, #tpu.memory_space<hbm>>
      %dma_start3A_74 = tpu.memref_slice %arg4[%add3A_15] : memref<160000xi32, #tpu.memory_space<hbm>> -> memref<8xi32, #tpu.memory_space<hbm>>
      tpu.enqueue_dma source(%dma_start3A_74 : memref<8xi32, #tpu.memory_space<hbm>>) target(%arg15 : memref<8xi32, #tpu.memory_space<vmem>>) target_semaphore(%run_scoped3A : memref<!tpu.dma_semaphore, #tpu.memory_space<semaphore_mem>>)
      %dma_wait3A_75 = tpu.memref_slice %arg4[%add3A_15] : memref<160000xi32, #tpu.memory_space<hbm>> -> memref<8xi32, #tpu.memory_space<hbm>>
      %dma_wait3A_76 = tpu.memref_slice %arg4[%add3A_15] : memref<160000xi32, #tpu.memory_space<hbm>> -> memref<8xi32, #tpu.memory_space<hbm>>
      tpu.wait_dma2 semaphore(%run_scoped3A : memref<!tpu.dma_semaphore, #tpu.memory_space<semaphore_mem>>) src(%dma_wait3A_76 : memref<8xi32, #tpu.memory_space<hbm>>) dst(%arg15 : memref<8xi32, #tpu.memory_space<vmem>>)
      tpu.yield
    }) : () -> ()
    "tpu.region"() ({
      %run_scoped3A = tpu.sem_alloc : memref<!tpu.dma_semaphore, #tpu.memory_space<semaphore_mem>>
      %dma_start3A_73 = arith.constant 0 : i32
      %dma_start3A_74 = arith.constant 0 : i32
      %dma_start3A_75 = tpu.memref_slice %arg16[%dma_start3A_73, %dma_start3A_74] : memref<128x128xf32, #tpu.memory_space<vmem>> -> memref<8x128xf32, #tpu.memory_space<vmem>>
      %dma_start3A_76 = arith.constant 0 : i32
      %dma_start3A_77 = arith.constant 0 : i32
      %dma_start3A_78 = tpu.memref_slice %arg19[%dma_start3A_76, %dma_start3A_77] : memref<10000x128xf32, #tpu.memory_space<vmem_shared>> -> memref<10000x128xf32, #tpu.memory_space<vmem_shared>>
      tpu.enqueue_indirect_dma source(%dma_start3A_75 : memref<8x128xf32, #tpu.memory_space<vmem>>) target(%dma_start3A_78 : memref<10000x128xf32, #tpu.memory_space<vmem_shared>>) offsets(%arg15 : memref<8xi32, #tpu.memory_space<vmem>>) semaphore(%run_scoped3A : memref<!tpu.dma_semaphore, #tpu.memory_space<semaphore_mem>>) {add = true}
      %dma_wait3A_79 = arith.constant 0 : i32
      %dma_wait3A_80 = arith.constant 0 : i32
      %dma_wait3A_81 = tpu.memref_slice %arg16[%dma_wait3A_79, %dma_wait3A_80] : memref<128x128xf32, #tpu.memory_space<vmem>> -> memref<8x128xf32, #tpu.memory_space<vmem>>
      %dma_wait3A_82 = arith.constant 0 : i32
      %dma_wait3A_83 = arith.constant 0 : i32
      %dma_wait3A_84 = tpu.memref_slice %arg19[%dma_wait3A_82, %dma_wait3A_83] : memref<10000x128xf32, #tpu.memory_space<vmem_shared>> -> memref<10000x128xf32, #tpu.memory_space<vmem_shared>>
      tpu.wait_indirect_dma semaphore(%run_scoped3A : memref<!tpu.dma_semaphore, #tpu.memory_space<semaphore_mem>>) src(%dma_wait3A_81 : memref<8x128xf32, #tpu.memory_space<vmem>>) dst(%dma_wait3A_84 : memref<10000x128xf32, #tpu.memory_space<vmem_shared>>)
      tpu.yield
    }) : () -> ()
    %barrier3A_16 = arith.constant 0 : index
    tpu.barrier barrier_id(%barrier3A_16)
    %lt3A_17 = arith.constant 15 : i32
    %lt3A_18 = arith.cmpi slt, %arg1, %lt3A_17 : i32
    %convert_element_type3A_19 = arith.extui %lt3A_18 : i1 to i32
    %cond3A_20 = arith.constant 0 : i32
    %cond3A_21 = arith.cmpi ne, %convert_element_type3A_19, %cond3A_20 : i32
    scf.if %cond3A_21 {
      %mul3A_73 = arith.constant 624 : i32
      %mul3A_74 = arith.muli %arg1, %mul3A_73 : i32
      %mul3A_75 = arith.constant 10000 : i32
      %mul3A_76 = arith.muli %arg0, %mul3A_75 : i32
      %add3A_77 = arith.addi %mul3A_76, %mul3A_74 : i32
      "tpu.region"() ({
        %run_scoped3A = tpu.sem_alloc : memref<!tpu.dma_semaphore, #tpu.memory_space<semaphore_mem>>
        %dma_start3A_78 = arith.constant 0 : i32
        %dma_start3A_79 = tpu.memref_slice %arg7[%add3A_77, %dma_start3A_78] : memref<20000x128xf32, #tpu.memory_space<hbm>> -> memref<624x128xf32, #tpu.memory_space<hbm>>
        %dma_start3A_80 = arith.constant 0 : i32
        %dma_start3A_81 = tpu.memref_slice %arg19[%mul3A_74, %dma_start3A_80] : memref<10000x128xf32, #tpu.memory_space<vmem_shared>> -> memref<624x128xf32, #tpu.memory_space<vmem_shared>>
        tpu.enqueue_dma source(%dma_start3A_81 : memref<624x128xf32, #tpu.memory_space<vmem_shared>>) target(%dma_start3A_79 : memref<624x128xf32, #tpu.memory_space<hbm>>) target_semaphore(%run_scoped3A : memref<!tpu.dma_semaphore, #tpu.memory_space<semaphore_mem>>)
        %dma_wait3A_82 = arith.constant 0 : i32
        %dma_wait3A_83 = tpu.memref_slice %arg7[%add3A_77, %dma_wait3A_82] : memref<20000x128xf32, #tpu.memory_space<hbm>> -> memref<624x128xf32, #tpu.memory_space<hbm>>
        %dma_wait3A_84 = arith.constant 0 : i32
        %dma_wait3A_85 = tpu.memref_slice %arg19[%mul3A_74, %dma_wait3A_84] : memref<10000x128xf32, #tpu.memory_space<vmem_shared>> -> memref<624x128xf32, #tpu.memory_space<vmem_shared>>
        tpu.wait_dma2 semaphore(%run_scoped3A : memref<!tpu.dma_semaphore, #tpu.memory_space<semaphore_mem>>) src(%dma_wait3A_85 : memref<624x128xf32, #tpu.memory_space<vmem_shared>>) dst(%dma_wait3A_83 : memref<624x128xf32, #tpu.memory_space<hbm>>)
        tpu.yield
      }) : () -> ()
    } else {
    }
    %eq3A_22 = arith.constant 15 : i32
    %eq3A_23 = arith.cmpi eq, %arg1, %eq3A_22 : i32
    %convert_element_type3A_24 = arith.extui %eq3A_23 : i1 to i32
    %cond3A_25 = arith.constant 0 : i32
    %cond3A_26 = arith.cmpi ne, %convert_element_type3A_24, %cond3A_25 : i32
    scf.if %cond3A_26 {
      %mul3A_73 = arith.constant 10000 : i32
      %mul3A_74 = arith.muli %arg0, %mul3A_73 : i32
      %add3A_75 = arith.constant 9360 : i32
      %add3A_76 = arith.addi %mul3A_74, %add3A_75 : i32
      "tpu.region"() ({
        %run_scoped3A = tpu.sem_alloc : memref<!tpu.dma_semaphore, #tpu.memory_space<semaphore_mem>>
        %dma_start3A_77 = arith.constant 0 : i32
        %dma_start3A_78 = tpu.memref_slice %arg7[%add3A_76, %dma_start3A_77] : memref<20000x128xf32, #tpu.memory_space<hbm>> -> memref<640x128xf32, #tpu.memory_space<hbm>>
        %dma_start3A_79 = arith.constant 9360 : i32
        %dma_start3A_80 = arith.constant 0 : i32
        %dma_start3A_81 = tpu.memref_slice %arg19[%dma_start3A_79, %dma_start3A_80] : memref<10000x128xf32, #tpu.memory_space<vmem_shared>> -> memref<640x128xf32, #tpu.memory_space<vmem_shared>>
        tpu.enqueue_dma source(%dma_start3A_81 : memref<640x128xf32, #tpu.memory_space<vmem_shared>>) target(%dma_start3A_78 : memref<640x128xf32, #tpu.memory_space<hbm>>) target_semaphore(%run_scoped3A : memref<!tpu.dma_semaphore, #tpu.memory_space<semaphore_mem>>)
        %dma_wait3A_82 = arith.constant 0 : i32
        %dma_wait3A_83 = tpu.memref_slice %arg7[%add3A_76, %dma_wait3A_82] : memref<20000x128xf32, #tpu.memory_space<hbm>> -> memref<640x128xf32, #tpu.memory_space<hbm>>
        %dma_wait3A_84 = arith.constant 9360 : i32
        %dma_wait3A_85 = arith.constant 0 : i32
        %dma_wait3A_86 = tpu.memref_slice %arg19[%dma_wait3A_84, %dma_wait3A_85] : memref<10000x128xf32, #tpu.memory_space<vmem_shared>> -> memref<640x128xf32, #tpu.memory_space<vmem_shared>>
        tpu.wait_dma2 semaphore(%run_scoped3A : memref<!tpu.dma_semaphore, #tpu.memory_space<semaphore_mem>>) src(%dma_wait3A_86 : memref<640x128xf32, #tpu.memory_space<vmem_shared>>) dst(%dma_wait3A_83 : memref<640x128xf32, #tpu.memory_space<hbm>>)
        tpu.yield
      }) : () -> ()
    } else {
    }
    %lt3A_27 = arith.constant 15 : i32
    %lt3A_28 = arith.cmpi slt, %arg1, %lt3A_27 : i32
    %convert_element_type3A_29 = arith.extui %lt3A_28 : i1 to i32
    %cond3A_30 = arith.constant 0 : i32
    %cond3A_31 = arith.cmpi ne, %convert_element_type3A_29, %cond3A_30 : i32
    scf.if %cond3A_31 {
      %mul3A_73 = arith.constant 624 : i32
      %mul3A_74 = arith.muli %arg1, %mul3A_73 : i32
      "tpu.region"() ({
        %run_scoped3A = tpu.sem_alloc : memref<!tpu.dma_semaphore, #tpu.memory_space<semaphore_mem>>
        %dma_start3A_75 = arith.constant 0 : i32
        %dma_start3A_76 = tpu.memref_slice %arg19[%mul3A_74, %dma_start3A_75] : memref<10000x128xf32, #tpu.memory_space<vmem_shared>> -> memref<624x128xf32, #tpu.memory_space<vmem_shared>>
        %dma_start3A_77 = arith.constant 0 : i32
        %dma_start3A_78 = arith.constant 0 : i32
        %dma_start3A_79 = tpu.memref_slice %arg5[%dma_start3A_77, %dma_start3A_78] : memref<640x128xf32, #tpu.memory_space<hbm>> -> memref<624x128xf32, #tpu.memory_space<hbm>>
        tpu.enqueue_dma source(%dma_start3A_79 : memref<624x128xf32, #tpu.memory_space<hbm>>) target(%dma_start3A_76 : memref<624x128xf32, #tpu.memory_space<vmem_shared>>) target_semaphore(%run_scoped3A : memref<!tpu.dma_semaphore, #tpu.memory_space<semaphore_mem>>)
        %dma_wait3A_80 = arith.constant 0 : i32
        %dma_wait3A_81 = tpu.memref_slice %arg19[%mul3A_74, %dma_wait3A_80] : memref<10000x128xf32, #tpu.memory_space<vmem_shared>> -> memref<624x128xf32, #tpu.memory_space<vmem_shared>>
        %dma_wait3A_82 = arith.constant 0 : i32
        %dma_wait3A_83 = arith.constant 0 : i32
        %dma_wait3A_84 = tpu.memref_slice %arg5[%dma_wait3A_82, %dma_wait3A_83] : memref<640x128xf32, #tpu.memory_space<hbm>> -> memref<624x128xf32, #tpu.memory_space<hbm>>
        tpu.wait_dma2 semaphore(%run_scoped3A : memref<!tpu.dma_semaphore, #tpu.memory_space<semaphore_mem>>) src(%dma_wait3A_84 : memref<624x128xf32, #tpu.memory_space<hbm>>) dst(%dma_wait3A_81 : memref<624x128xf32, #tpu.memory_space<vmem_shared>>)
        tpu.yield
      }) : () -> ()
    } else {
    }
    %eq3A_32 = arith.constant 15 : i32
    %eq3A_33 = arith.cmpi eq, %arg1, %eq3A_32 : i32
    %convert_element_type3A_34 = arith.extui %eq3A_33 : i1 to i32
    %cond3A_35 = arith.constant 0 : i32
    %cond3A_36 = arith.cmpi ne, %convert_element_type3A_34, %cond3A_35 : i32
    scf.if %cond3A_36 {
      "tpu.region"() ({
        %run_scoped3A = tpu.sem_alloc : memref<!tpu.dma_semaphore, #tpu.memory_space<semaphore_mem>>
        %dma_start3A_73 = arith.constant 9360 : i32
        %dma_start3A_74 = arith.constant 0 : i32
        %dma_start3A_75 = tpu.memref_slice %arg19[%dma_start3A_73, %dma_start3A_74] : memref<10000x128xf32, #tpu.memory_space<vmem_shared>> -> memref<640x128xf32, #tpu.memory_space<vmem_shared>>
        %dma_start3A_76 = arith.constant 0 : i32
        %dma_start3A_77 = arith.constant 0 : i32
        %dma_start3A_78 = tpu.memref_slice %arg5[%dma_start3A_76, %dma_start3A_77] : memref<640x128xf32, #tpu.memory_space<hbm>> -> memref<640x128xf32, #tpu.memory_space<hbm>>
        tpu.enqueue_dma source(%dma_start3A_78 : memref<640x128xf32, #tpu.memory_space<hbm>>) target(%dma_start3A_75 : memref<640x128xf32, #tpu.memory_space<vmem_shared>>) target_semaphore(%run_scoped3A : memref<!tpu.dma_semaphore, #tpu.memory_space<semaphore_mem>>)
        %dma_wait3A_79 = arith.constant 9360 : i32
        %dma_wait3A_80 = arith.constant 0 : i32
        %dma_wait3A_81 = tpu.memref_slice %arg19[%dma_wait3A_79, %dma_wait3A_80] : memref<10000x128xf32, #tpu.memory_space<vmem_shared>> -> memref<640x128xf32, #tpu.memory_space<vmem_shared>>
        %dma_wait3A_82 = arith.constant 0 : i32
        %dma_wait3A_83 = arith.constant 0 : i32
        %dma_wait3A_84 = tpu.memref_slice %arg5[%dma_wait3A_82, %dma_wait3A_83] : memref<640x128xf32, #tpu.memory_space<hbm>> -> memref<640x128xf32, #tpu.memory_space<hbm>>
        tpu.wait_dma2 semaphore(%run_scoped3A : memref<!tpu.dma_semaphore, #tpu.memory_space<semaphore_mem>>) src(%dma_wait3A_84 : memref<640x128xf32, #tpu.memory_space<hbm>>) dst(%dma_wait3A_81 : memref<640x128xf32, #tpu.memory_space<vmem_shared>>)
        tpu.yield
      }) : () -> ()
    } else {
    }
    %barrier3A_37 = arith.constant 0 : index
    tpu.barrier barrier_id(%barrier3A_37)
    %mul3A_38 = arith.constant 160000 : i32
    %mul3A_39 = arith.muli %arg0, %mul3A_38 : i32
    %mul3A_40 = arith.constant 10000 : i32
    %mul3A_41 = arith.muli %arg1, %mul3A_40 : i32
    %add3A_42 = arith.addi %mul3A_39, %mul3A_41 : i32
    %mul3A_43 = arith.constant 10000 : i32
    %mul3A_44 = arith.muli %arg1, %mul3A_43 : i32
    "tpu.region"() ({
      %run_scoped3A = tpu.sem_alloc : memref<!tpu.dma_semaphore, #tpu.memory_space<semaphore_mem>>
      %dma_start3A_73 = tpu.memref_slice %arg3[%add3A_42] : memref<320000xi32, #tpu.memory_space<hbm>> -> memref<128xi32, #tpu.memory_space<hbm>>
      %dma_start3A_74 = tpu.memref_slice %arg3[%add3A_42] : memref<320000xi32, #tpu.memory_space<hbm>> -> memref<128xi32, #tpu.memory_space<hbm>>
      tpu.enqueue_dma source(%dma_start3A_74 : memref<128xi32, #tpu.memory_space<hbm>>) target(%arg9 : memref<128xi32, #tpu.memory_space<vmem>>) target_semaphore(%run_scoped3A : memref<!tpu.dma_semaphore, #tpu.memory_space<semaphore_mem>>)
      %dma_wait3A_75 = tpu.memref_slice %arg3[%add3A_42] : memref<320000xi32, #tpu.memory_space<hbm>> -> memref<128xi32, #tpu.memory_space<hbm>>
      %dma_wait3A_76 = tpu.memref_slice %arg3[%add3A_42] : memref<320000xi32, #tpu.memory_space<hbm>> -> memref<128xi32, #tpu.memory_space<hbm>>
      tpu.wait_dma2 semaphore(%run_scoped3A : memref<!tpu.dma_semaphore, #tpu.memory_space<semaphore_mem>>) src(%dma_wait3A_76 : memref<128xi32, #tpu.memory_space<hbm>>) dst(%arg9 : memref<128xi32, #tpu.memory_space<vmem>>)
      tpu.yield
    }) : () -> ()
    "tpu.region"() ({
      %run_scoped3A = tpu.sem_alloc : memref<!tpu.dma_semaphore, #tpu.memory_space<semaphore_mem>>
      %dma_start3A_73 = tpu.memref_slice %arg4[%mul3A_44] : memref<160000xi32, #tpu.memory_space<hbm>> -> memref<128xi32, #tpu.memory_space<hbm>>
      %dma_start3A_74 = tpu.memref_slice %arg4[%mul3A_44] : memref<160000xi32, #tpu.memory_space<hbm>> -> memref<128xi32, #tpu.memory_space<hbm>>
      tpu.enqueue_dma source(%dma_start3A_74 : memref<128xi32, #tpu.memory_space<hbm>>) target(%arg10 : memref<128xi32, #tpu.memory_space<vmem>>) target_semaphore(%run_scoped3A : memref<!tpu.dma_semaphore, #tpu.memory_space<semaphore_mem>>)
      %dma_wait3A_75 = tpu.memref_slice %arg4[%mul3A_44] : memref<160000xi32, #tpu.memory_space<hbm>> -> memref<128xi32, #tpu.memory_space<hbm>>
      %dma_wait3A_76 = tpu.memref_slice %arg4[%mul3A_44] : memref<160000xi32, #tpu.memory_space<hbm>> -> memref<128xi32, #tpu.memory_space<hbm>>
      tpu.wait_dma2 semaphore(%run_scoped3A : memref<!tpu.dma_semaphore, #tpu.memory_space<semaphore_mem>>) src(%dma_wait3A_76 : memref<128xi32, #tpu.memory_space<hbm>>) dst(%arg10 : memref<128xi32, #tpu.memory_space<vmem>>)
      tpu.yield
    }) : () -> ()
    %dma_start3A = arith.constant 0 : i32
    %dma_start3A_45 = arith.constant 0 : i32
    %dma_start3A_46 = tpu.memref_slice %arg2[%dma_start3A, %dma_start3A_45] : memref<20000x128xf32, #tpu.memory_space<hbm>> -> memref<20000x128xf32, #tpu.memory_space<hbm>>
    tpu.enqueue_indirect_dma source(%dma_start3A_46 : memref<20000x128xf32, #tpu.memory_space<hbm>>) target(%arg16 : memref<128x128xf32, #tpu.memory_space<vmem>>) offsets(%arg9 : memref<128xi32, #tpu.memory_space<vmem>>) semaphore(%arg20 : memref<!tpu.dma_semaphore, #tpu.memory_space<semaphore_mem>>)
    %scan3A_47 = arith.constant 0 : i32
    %scan3A_48 = arith.constant 0 : i32
    %scan3A_49 = arith.constant 39 : i32
    %scan3A_50 = arith.addi %scan3A_48, %scan3A_49 : i32
    %scan3A_51 = arith.constant 1 : i32
    scf.for %scan3A_73 = %scan3A_48 to %scan3A_50 step %scan3A_51  : i32 {
      %mul3A_74 = arith.constant 2 : i32
      %mul3A_75 = arith.muli %mul3A_74, %scan3A_73 : i32
      %add3A_76 = arith.constant 1 : i32
      %add3A_77 = arith.addi %mul3A_75, %add3A_76 : i32
      %mul3A_78 = arith.constant 128 : i32
      %mul3A_79 = arith.muli %add3A_77, %mul3A_78 : i32
      %add3A_80 = arith.addi %add3A_42, %mul3A_79 : i32
      "tpu.region"() ({
        %run_scoped3A = tpu.sem_alloc : memref<!tpu.dma_semaphore, #tpu.memory_space<semaphore_mem>>
        %dma_start3A_96 = tpu.memref_slice %arg3[%add3A_80] : memref<320000xi32, #tpu.memory_space<hbm>> -> memref<128xi32, #tpu.memory_space<hbm>>
        %dma_start3A_97 = tpu.memref_slice %arg3[%add3A_80] : memref<320000xi32, #tpu.memory_space<hbm>> -> memref<128xi32, #tpu.memory_space<hbm>>
        tpu.enqueue_dma source(%dma_start3A_97 : memref<128xi32, #tpu.memory_space<hbm>>) target(%arg11 : memref<128xi32, #tpu.memory_space<vmem>>) target_semaphore(%run_scoped3A : memref<!tpu.dma_semaphore, #tpu.memory_space<semaphore_mem>>)
        %dma_wait3A_98 = tpu.memref_slice %arg3[%add3A_80] : memref<320000xi32, #tpu.memory_space<hbm>> -> memref<128xi32, #tpu.memory_space<hbm>>
        %dma_wait3A_99 = tpu.memref_slice %arg3[%add3A_80] : memref<320000xi32, #tpu.memory_space<hbm>> -> memref<128xi32, #tpu.memory_space<hbm>>
        tpu.wait_dma2 semaphore(%run_scoped3A : memref<!tpu.dma_semaphore, #tpu.memory_space<semaphore_mem>>) src(%dma_wait3A_99 : memref<128xi32, #tpu.memory_space<hbm>>) dst(%arg11 : memref<128xi32, #tpu.memory_space<vmem>>)
        tpu.yield
      }) : () -> ()
      %add3A_81 = arith.addi %mul3A_44, %mul3A_79 : i32
      "tpu.region"() ({
        %run_scoped3A = tpu.sem_alloc : memref<!tpu.dma_semaphore, #tpu.memory_space<semaphore_mem>>
        %dma_start3A_96 = tpu.memref_slice %arg4[%add3A_81] : memref<160000xi32, #tpu.memory_space<hbm>> -> memref<128xi32, #tpu.memory_space<hbm>>
        %dma_start3A_97 = tpu.memref_slice %arg4[%add3A_81] : memref<160000xi32, #tpu.memory_space<hbm>> -> memref<128xi32, #tpu.memory_space<hbm>>
        tpu.enqueue_dma source(%dma_start3A_97 : memref<128xi32, #tpu.memory_space<hbm>>) target(%arg12 : memref<128xi32, #tpu.memory_space<vmem>>) target_semaphore(%run_scoped3A : memref<!tpu.dma_semaphore, #tpu.memory_space<semaphore_mem>>)
        %dma_wait3A_98 = tpu.memref_slice %arg4[%add3A_81] : memref<160000xi32, #tpu.memory_space<hbm>> -> memref<128xi32, #tpu.memory_space<hbm>>
        %dma_wait3A_99 = tpu.memref_slice %arg4[%add3A_81] : memref<160000xi32, #tpu.memory_space<hbm>> -> memref<128xi32, #tpu.memory_space<hbm>>
        tpu.wait_dma2 semaphore(%run_scoped3A : memref<!tpu.dma_semaphore, #tpu.memory_space<semaphore_mem>>) src(%dma_wait3A_99 : memref<128xi32, #tpu.memory_space<hbm>>) dst(%arg12 : memref<128xi32, #tpu.memory_space<vmem>>)
        tpu.yield
      }) : () -> ()
      %dma_start3A_82 = arith.constant 0 : i32
      %dma_start3A_83 = arith.constant 0 : i32
      %dma_start3A_84 = tpu.memref_slice %arg2[%dma_start3A_82, %dma_start3A_83] : memref<20000x128xf32, #tpu.memory_space<hbm>> -> memref<20000x128xf32, #tpu.memory_space<hbm>>
      tpu.enqueue_indirect_dma source(%dma_start3A_84 : memref<20000x128xf32, #tpu.memory_space<hbm>>) target(%arg17 : memref<128x128xf32, #tpu.memory_space<vmem>>) offsets(%arg11 : memref<128xi32, #tpu.memory_space<vmem>>) semaphore(%arg21 : memref<!tpu.dma_semaphore, #tpu.memory_space<semaphore_mem>>)
      %dma_wait3A_85 = arith.constant 0 : i32
      %dma_wait3A_86 = arith.constant 0 : i32
      %dma_wait3A_87 = tpu.memref_slice %arg2[%dma_wait3A_85, %dma_wait3A_86] : memref<20000x128xf32, #tpu.memory_space<hbm>> -> memref<20000x128xf32, #tpu.memory_space<hbm>>
      tpu.wait_indirect_dma semaphore(%arg20 : memref<!tpu.dma_semaphore, #tpu.memory_space<semaphore_mem>>) src(%dma_wait3A_87 : memref<20000x128xf32, #tpu.memory_space<hbm>>) dst(%arg16 : memref<128x128xf32, #tpu.memory_space<vmem>>)
      "tpu.region"() ({
        %run_scoped3A = tpu.sem_alloc : memref<!tpu.dma_semaphore, #tpu.memory_space<semaphore_mem>>
        %dma_start3A_96 = arith.constant 0 : i32
        %dma_start3A_97 = arith.constant 0 : i32
        %dma_start3A_98 = tpu.memref_slice %arg19[%dma_start3A_96, %dma_start3A_97] : memref<10000x128xf32, #tpu.memory_space<vmem_shared>> -> memref<10000x128xf32, #tpu.memory_space<vmem_shared>>
        tpu.enqueue_indirect_dma source(%arg16 : memref<128x128xf32, #tpu.memory_space<vmem>>) target(%dma_start3A_98 : memref<10000x128xf32, #tpu.memory_space<vmem_shared>>) offsets(%arg10 : memref<128xi32, #tpu.memory_space<vmem>>) semaphore(%run_scoped3A : memref<!tpu.dma_semaphore, #tpu.memory_space<semaphore_mem>>) {add = true}
        %dma_wait3A_99 = arith.constant 0 : i32
        %dma_wait3A_100 = arith.constant 0 : i32
        %dma_wait3A_101 = tpu.memref_slice %arg19[%dma_wait3A_99, %dma_wait3A_100] : memref<10000x128xf32, #tpu.memory_space<vmem_shared>> -> memref<10000x128xf32, #tpu.memory_space<vmem_shared>>
        tpu.wait_indirect_dma semaphore(%run_scoped3A : memref<!tpu.dma_semaphore, #tpu.memory_space<semaphore_mem>>) src(%arg16 : memref<128x128xf32, #tpu.memory_space<vmem>>) dst(%dma_wait3A_101 : memref<10000x128xf32, #tpu.memory_space<vmem_shared>>)
        tpu.yield
      }) : () -> ()
      %lt3A_88 = arith.constant 38 : i32
      %lt3A_89 = arith.cmpi slt, %scan3A_73, %lt3A_88 : i32
      %convert_element_type3A_90 = arith.extui %lt3A_89 : i1 to i32
      %cond3A_91 = arith.constant 0 : i32
      %cond3A_92 = arith.cmpi ne, %convert_element_type3A_90, %cond3A_91 : i32
      scf.if %cond3A_92 {
        %mul3A_96 = arith.constant 2 : i32
        %mul3A_97 = arith.muli %mul3A_96, %scan3A_73 : i32
        %add3A_98 = arith.constant 2 : i32
        %add3A_99 = arith.addi %mul3A_97, %add3A_98 : i32
        %mul3A_100 = arith.constant 128 : i32
        %mul3A_101 = arith.muli %add3A_99, %mul3A_100 : i32
        %add3A_102 = arith.addi %add3A_42, %mul3A_101 : i32
        "tpu.region"() ({
          %run_scoped3A = tpu.sem_alloc : memref<!tpu.dma_semaphore, #tpu.memory_space<semaphore_mem>>
          %dma_start3A_107 = tpu.memref_slice %arg3[%add3A_102] : memref<320000xi32, #tpu.memory_space<hbm>> -> memref<128xi32, #tpu.memory_space<hbm>>
          %dma_start3A_108 = tpu.memref_slice %arg3[%add3A_102] : memref<320000xi32, #tpu.memory_space<hbm>> -> memref<128xi32, #tpu.memory_space<hbm>>
          tpu.enqueue_dma source(%dma_start3A_108 : memref<128xi32, #tpu.memory_space<hbm>>) target(%arg9 : memref<128xi32, #tpu.memory_space<vmem>>) target_semaphore(%run_scoped3A : memref<!tpu.dma_semaphore, #tpu.memory_space<semaphore_mem>>)
          %dma_wait3A_109 = tpu.memref_slice %arg3[%add3A_102] : memref<320000xi32, #tpu.memory_space<hbm>> -> memref<128xi32, #tpu.memory_space<hbm>>
          %dma_wait3A_110 = tpu.memref_slice %arg3[%add3A_102] : memref<320000xi32, #tpu.memory_space<hbm>> -> memref<128xi32, #tpu.memory_space<hbm>>
          tpu.wait_dma2 semaphore(%run_scoped3A : memref<!tpu.dma_semaphore, #tpu.memory_space<semaphore_mem>>) src(%dma_wait3A_110 : memref<128xi32, #tpu.memory_space<hbm>>) dst(%arg9 : memref<128xi32, #tpu.memory_space<vmem>>)
          tpu.yield
        }) : () -> ()
        %add3A_103 = arith.addi %mul3A_44, %mul3A_101 : i32
        "tpu.region"() ({
          %run_scoped3A = tpu.sem_alloc : memref<!tpu.dma_semaphore, #tpu.memory_space<semaphore_mem>>
          %dma_start3A_107 = tpu.memref_slice %arg4[%add3A_103] : memref<160000xi32, #tpu.memory_space<hbm>> -> memref<128xi32, #tpu.memory_space<hbm>>
          %dma_start3A_108 = tpu.memref_slice %arg4[%add3A_103] : memref<160000xi32, #tpu.memory_space<hbm>> -> memref<128xi32, #tpu.memory_space<hbm>>
          tpu.enqueue_dma source(%dma_start3A_108 : memref<128xi32, #tpu.memory_space<hbm>>) target(%arg10 : memref<128xi32, #tpu.memory_space<vmem>>) target_semaphore(%run_scoped3A : memref<!tpu.dma_semaphore, #tpu.memory_space<semaphore_mem>>)
          %dma_wait3A_109 = tpu.memref_slice %arg4[%add3A_103] : memref<160000xi32, #tpu.memory_space<hbm>> -> memref<128xi32, #tpu.memory_space<hbm>>
          %dma_wait3A_110 = tpu.memref_slice %arg4[%add3A_103] : memref<160000xi32, #tpu.memory_space<hbm>> -> memref<128xi32, #tpu.memory_space<hbm>>
          tpu.wait_dma2 semaphore(%run_scoped3A : memref<!tpu.dma_semaphore, #tpu.memory_space<semaphore_mem>>) src(%dma_wait3A_110 : memref<128xi32, #tpu.memory_space<hbm>>) dst(%arg10 : memref<128xi32, #tpu.memory_space<vmem>>)
          tpu.yield
        }) : () -> ()
        %dma_start3A_104 = arith.constant 0 : i32
        %dma_start3A_105 = arith.constant 0 : i32
        %dma_start3A_106 = tpu.memref_slice %arg2[%dma_start3A_104, %dma_start3A_105] : memref<20000x128xf32, #tpu.memory_space<hbm>> -> memref<20000x128xf32, #tpu.memory_space<hbm>>
        tpu.enqueue_indirect_dma source(%dma_start3A_106 : memref<20000x128xf32, #tpu.memory_space<hbm>>) target(%arg16 : memref<128x128xf32, #tpu.memory_space<vmem>>) offsets(%arg9 : memref<128xi32, #tpu.memory_space<vmem>>) semaphore(%arg20 : memref<!tpu.dma_semaphore, #tpu.memory_space<semaphore_mem>>)
      } else {
      }
      %dma_wait3A_93 = arith.constant 0 : i32
      %dma_wait3A_94 = arith.constant 0 : i32
      %dma_wait3A_95 = tpu.memref_slice %arg2[%dma_wait3A_93, %dma_wait3A_94] : memref<20000x128xf32, #tpu.memory_space<hbm>> -> memref<20000x128xf32, #tpu.memory_space<hbm>>
      tpu.wait_indirect_dma semaphore(%arg21 : memref<!tpu.dma_semaphore, #tpu.memory_space<semaphore_mem>>) src(%dma_wait3A_95 : memref<20000x128xf32, #tpu.memory_space<hbm>>) dst(%arg17 : memref<128x128xf32, #tpu.memory_space<vmem>>)
      "tpu.region"() ({
        %run_scoped3A = tpu.sem_alloc : memref<!tpu.dma_semaphore, #tpu.memory_space<semaphore_mem>>
        %dma_start3A_96 = arith.constant 0 : i32
        %dma_start3A_97 = arith.constant 0 : i32
        %dma_start3A_98 = tpu.memref_slice %arg19[%dma_start3A_96, %dma_start3A_97] : memref<10000x128xf32, #tpu.memory_space<vmem_shared>> -> memref<10000x128xf32, #tpu.memory_space<vmem_shared>>
        tpu.enqueue_indirect_dma source(%arg17 : memref<128x128xf32, #tpu.memory_space<vmem>>) target(%dma_start3A_98 : memref<10000x128xf32, #tpu.memory_space<vmem_shared>>) offsets(%arg12 : memref<128xi32, #tpu.memory_space<vmem>>) semaphore(%run_scoped3A : memref<!tpu.dma_semaphore, #tpu.memory_space<semaphore_mem>>) {add = true}
        %dma_wait3A_99 = arith.constant 0 : i32
        %dma_wait3A_100 = arith.constant 0 : i32
        %dma_wait3A_101 = tpu.memref_slice %arg19[%dma_wait3A_99, %dma_wait3A_100] : memref<10000x128xf32, #tpu.memory_space<vmem_shared>> -> memref<10000x128xf32, #tpu.memory_space<vmem_shared>>
        tpu.wait_indirect_dma semaphore(%run_scoped3A : memref<!tpu.dma_semaphore, #tpu.memory_space<semaphore_mem>>) src(%arg17 : memref<128x128xf32, #tpu.memory_space<vmem>>) dst(%dma_wait3A_101 : memref<10000x128xf32, #tpu.memory_space<vmem_shared>>)
        tpu.yield
      }) : () -> ()
    }
    %scan3A_52 = arith.constant 39 : i32
    %add3A_53 = arith.constant 9984 : i32
    %add3A_54 = arith.addi %add3A_42, %add3A_53 : i32
    "tpu.region"() ({
      %run_scoped3A = tpu.sem_alloc : memref<!tpu.dma_semaphore, #tpu.memory_space<semaphore_mem>>
      %dma_start3A_73 = tpu.memref_slice %arg3[%add3A_54] : memref<320000xi32, #tpu.memory_space<hbm>> -> memref<16xi32, #tpu.memory_space<hbm>>
      %dma_start3A_74 = tpu.memref_slice %arg3[%add3A_54] : memref<320000xi32, #tpu.memory_space<hbm>> -> memref<16xi32, #tpu.memory_space<hbm>>
      tpu.enqueue_dma source(%dma_start3A_74 : memref<16xi32, #tpu.memory_space<hbm>>) target(%arg13 : memref<16xi32, #tpu.memory_space<vmem>>) target_semaphore(%run_scoped3A : memref<!tpu.dma_semaphore, #tpu.memory_space<semaphore_mem>>)
      %dma_wait3A_75 = tpu.memref_slice %arg3[%add3A_54] : memref<320000xi32, #tpu.memory_space<hbm>> -> memref<16xi32, #tpu.memory_space<hbm>>
      %dma_wait3A_76 = tpu.memref_slice %arg3[%add3A_54] : memref<320000xi32, #tpu.memory_space<hbm>> -> memref<16xi32, #tpu.memory_space<hbm>>
      tpu.wait_dma2 semaphore(%run_scoped3A : memref<!tpu.dma_semaphore, #tpu.memory_space<semaphore_mem>>) src(%dma_wait3A_76 : memref<16xi32, #tpu.memory_space<hbm>>) dst(%arg13 : memref<16xi32, #tpu.memory_space<vmem>>)
      tpu.yield
    }) : () -> ()
    %add3A_55 = arith.constant 9984 : i32
    %add3A_56 = arith.addi %mul3A_44, %add3A_55 : i32
    "tpu.region"() ({
      %run_scoped3A = tpu.sem_alloc : memref<!tpu.dma_semaphore, #tpu.memory_space<semaphore_mem>>
      %dma_start3A_73 = tpu.memref_slice %arg4[%add3A_56] : memref<160000xi32, #tpu.memory_space<hbm>> -> memref<16xi32, #tpu.memory_space<hbm>>
      %dma_start3A_74 = tpu.memref_slice %arg4[%add3A_56] : memref<160000xi32, #tpu.memory_space<hbm>> -> memref<16xi32, #tpu.memory_space<hbm>>
      tpu.enqueue_dma source(%dma_start3A_74 : memref<16xi32, #tpu.memory_space<hbm>>) target(%arg14 : memref<16xi32, #tpu.memory_space<vmem>>) target_semaphore(%run_scoped3A : memref<!tpu.dma_semaphore, #tpu.memory_space<semaphore_mem>>)
      %dma_wait3A_75 = tpu.memref_slice %arg4[%add3A_56] : memref<160000xi32, #tpu.memory_space<hbm>> -> memref<16xi32, #tpu.memory_space<hbm>>
      %dma_wait3A_76 = tpu.memref_slice %arg4[%add3A_56] : memref<160000xi32, #tpu.memory_space<hbm>> -> memref<16xi32, #tpu.memory_space<hbm>>
      tpu.wait_dma2 semaphore(%run_scoped3A : memref<!tpu.dma_semaphore, #tpu.memory_space<semaphore_mem>>) src(%dma_wait3A_76 : memref<16xi32, #tpu.memory_space<hbm>>) dst(%arg14 : memref<16xi32, #tpu.memory_space<vmem>>)
      tpu.yield
    }) : () -> ()
    %dma_start3A_57 = arith.constant 0 : i32
    %dma_start3A_58 = arith.constant 0 : i32
    %dma_start3A_59 = tpu.memref_slice %arg2[%dma_start3A_57, %dma_start3A_58] : memref<20000x128xf32, #tpu.memory_space<hbm>> -> memref<20000x128xf32, #tpu.memory_space<hbm>>
    tpu.enqueue_indirect_dma source(%dma_start3A_59 : memref<20000x128xf32, #tpu.memory_space<hbm>>) target(%arg18 : memref<16x128xf32, #tpu.memory_space<vmem>>) offsets(%arg13 : memref<16xi32, #tpu.memory_space<vmem>>) semaphore(%arg20 : memref<!tpu.dma_semaphore, #tpu.memory_space<semaphore_mem>>)
    %dma_wait3A = arith.constant 0 : i32
    %dma_wait3A_60 = arith.constant 0 : i32
    %dma_wait3A_61 = tpu.memref_slice %arg2[%dma_wait3A, %dma_wait3A_60] : memref<20000x128xf32, #tpu.memory_space<hbm>> -> memref<20000x128xf32, #tpu.memory_space<hbm>>
    tpu.wait_indirect_dma semaphore(%arg20 : memref<!tpu.dma_semaphore, #tpu.memory_space<semaphore_mem>>) src(%dma_wait3A_61 : memref<20000x128xf32, #tpu.memory_space<hbm>>) dst(%arg18 : memref<16x128xf32, #tpu.memory_space<vmem>>)
    "tpu.region"() ({
      %run_scoped3A = tpu.sem_alloc : memref<!tpu.dma_semaphore, #tpu.memory_space<semaphore_mem>>
      %dma_start3A_73 = arith.constant 0 : i32
      %dma_start3A_74 = arith.constant 0 : i32
      %dma_start3A_75 = tpu.memref_slice %arg19[%dma_start3A_73, %dma_start3A_74] : memref<10000x128xf32, #tpu.memory_space<vmem_shared>> -> memref<10000x128xf32, #tpu.memory_space<vmem_shared>>
      tpu.enqueue_indirect_dma source(%arg18 : memref<16x128xf32, #tpu.memory_space<vmem>>) target(%dma_start3A_75 : memref<10000x128xf32, #tpu.memory_space<vmem_shared>>) offsets(%arg14 : memref<16xi32, #tpu.memory_space<vmem>>) semaphore(%run_scoped3A : memref<!tpu.dma_semaphore, #tpu.memory_space<semaphore_mem>>) {add = true}
      %dma_wait3A_76 = arith.constant 0 : i32
      %dma_wait3A_77 = arith.constant 0 : i32
      %dma_wait3A_78 = tpu.memref_slice %arg19[%dma_wait3A_76, %dma_wait3A_77] : memref<10000x128xf32, #tpu.memory_space<vmem_shared>> -> memref<10000x128xf32, #tpu.memory_space<vmem_shared>>
      tpu.wait_indirect_dma semaphore(%run_scoped3A : memref<!tpu.dma_semaphore, #tpu.memory_space<semaphore_mem>>) src(%arg18 : memref<16x128xf32, #tpu.memory_space<vmem>>) dst(%dma_wait3A_78 : memref<10000x128xf32, #tpu.memory_space<vmem_shared>>)
      tpu.yield
    }) : () -> ()
    %barrier3A_62 = arith.constant 0 : index
    tpu.barrier barrier_id(%barrier3A_62)
    %lt3A_63 = arith.constant 15 : i32
    %lt3A_64 = arith.cmpi slt, %arg1, %lt3A_63 : i32
    %convert_element_type3A_65 = arith.extui %lt3A_64 : i1 to i32
    %cond3A_66 = arith.constant 0 : i32
    %cond3A_67 = arith.cmpi ne, %convert_element_type3A_65, %cond3A_66 : i32
    scf.if %cond3A_67 {
      %mul3A_73 = arith.constant 624 : i32
      %mul3A_74 = arith.muli %arg1, %mul3A_73 : i32
      %mul3A_75 = arith.constant 10000 : i32
      %mul3A_76 = arith.muli %arg0, %mul3A_75 : i32
      %add3A_77 = arith.addi %mul3A_76, %mul3A_74 : i32
      "tpu.region"() ({
        %run_scoped3A = tpu.sem_alloc : memref<!tpu.dma_semaphore, #tpu.memory_space<semaphore_mem>>
        %dma_start3A_78 = arith.constant 0 : i32
        %dma_start3A_79 = tpu.memref_slice %arg8[%add3A_77, %dma_start3A_78] : memref<20000x128xf32, #tpu.memory_space<hbm>> -> memref<624x128xf32, #tpu.memory_space<hbm>>
        %dma_start3A_80 = arith.constant 0 : i32
        %dma_start3A_81 = tpu.memref_slice %arg19[%mul3A_74, %dma_start3A_80] : memref<10000x128xf32, #tpu.memory_space<vmem_shared>> -> memref<624x128xf32, #tpu.memory_space<vmem_shared>>
        tpu.enqueue_dma source(%dma_start3A_81 : memref<624x128xf32, #tpu.memory_space<vmem_shared>>) target(%dma_start3A_79 : memref<624x128xf32, #tpu.memory_space<hbm>>) target_semaphore(%run_scoped3A : memref<!tpu.dma_semaphore, #tpu.memory_space<semaphore_mem>>)
        %dma_wait3A_82 = arith.constant 0 : i32
        %dma_wait3A_83 = tpu.memref_slice %arg8[%add3A_77, %dma_wait3A_82] : memref<20000x128xf32, #tpu.memory_space<hbm>> -> memref<624x128xf32, #tpu.memory_space<hbm>>
        %dma_wait3A_84 = arith.constant 0 : i32
        %dma_wait3A_85 = tpu.memref_slice %arg19[%mul3A_74, %dma_wait3A_84] : memref<10000x128xf32, #tpu.memory_space<vmem_shared>> -> memref<624x128xf32, #tpu.memory_space<vmem_shared>>
        tpu.wait_dma2 semaphore(%run_scoped3A : memref<!tpu.dma_semaphore, #tpu.memory_space<semaphore_mem>>) src(%dma_wait3A_85 : memref<624x128xf32, #tpu.memory_space<vmem_shared>>) dst(%dma_wait3A_83 : memref<624x128xf32, #tpu.memory_space<hbm>>)
        tpu.yield
      }) : () -> ()
    } else {
    }
    %eq3A_68 = arith.constant 15 : i32
    %eq3A_69 = arith.cmpi eq, %arg1, %eq3A_68 : i32
    %convert_element_type3A_70 = arith.extui %eq3A_69 : i1 to i32
    %cond3A_71 = arith.constant 0 : i32
    %cond3A_72 = arith.cmpi ne, %convert_element_type3A_70, %cond3A_71 : i32
    scf.if %cond3A_72 {
      %mul3A_73 = arith.constant 10000 : i32
      %mul3A_74 = arith.muli %arg0, %mul3A_73 : i32
      %add3A_75 = arith.constant 9360 : i32
      %add3A_76 = arith.addi %mul3A_74, %add3A_75 : i32
      "tpu.region"() ({
        %run_scoped3A = tpu.sem_alloc : memref<!tpu.dma_semaphore, #tpu.memory_space<semaphore_mem>>
        %dma_start3A_77 = arith.constant 0 : i32
        %dma_start3A_78 = tpu.memref_slice %arg8[%add3A_76, %dma_start3A_77] : memref<20000x128xf32, #tpu.memory_space<hbm>> -> memref<640x128xf32, #tpu.memory_space<hbm>>
        %dma_start3A_79 = arith.constant 9360 : i32
        %dma_start3A_80 = arith.constant 0 : i32
        %dma_start3A_81 = tpu.memref_slice %arg19[%dma_start3A_79, %dma_start3A_80] : memref<10000x128xf32, #tpu.memory_space<vmem_shared>> -> memref<640x128xf32, #tpu.memory_space<vmem_shared>>
        tpu.enqueue_dma source(%dma_start3A_81 : memref<640x128xf32, #tpu.memory_space<vmem_shared>>) target(%dma_start3A_78 : memref<640x128xf32, #tpu.memory_space<hbm>>) target_semaphore(%run_scoped3A : memref<!tpu.dma_semaphore, #tpu.memory_space<semaphore_mem>>)
        %dma_wait3A_82 = arith.constant 0 : i32
        %dma_wait3A_83 = tpu.memref_slice %arg8[%add3A_76, %dma_wait3A_82] : memref<20000x128xf32, #tpu.memory_space<hbm>> -> memref<640x128xf32, #tpu.memory_space<hbm>>
        %dma_wait3A_84 = arith.constant 9360 : i32
        %dma_wait3A_85 = arith.constant 0 : i32
        %dma_wait3A_86 = tpu.memref_slice %arg19[%dma_wait3A_84, %dma_wait3A_85] : memref<10000x128xf32, #tpu.memory_space<vmem_shared>> -> memref<640x128xf32, #tpu.memory_space<vmem_shared>>
        tpu.wait_dma2 semaphore(%run_scoped3A : memref<!tpu.dma_semaphore, #tpu.memory_space<semaphore_mem>>) src(%dma_wait3A_86 : memref<640x128xf32, #tpu.memory_space<vmem_shared>>) dst(%dma_wait3A_83 : memref<640x128xf32, #tpu.memory_space<hbm>>)
        tpu.yield
      }) : () -> ()
    } else {
    }
    return
  }
}

module attributes {stable_mosaic.version = 14 : i64} {
  func.func @_tc1_body(%arg0: i32, %arg1: memref<1000x128xf32, #tpu.memory_space<vmem>>, %arg2: memref<1000x128xf32, #tpu.memory_space<vmem>>, %arg3: memref<1000x128xf32, #tpu.memory_space<vmem>>, %arg4: memref<1000x128xf32, #tpu.memory_space<vmem>>, %arg5: memref<1000x256xf32, #tpu.memory_space<vmem>>, %arg6: memref<256x256xf32, #tpu.memory_space<vmem>>, %arg7: memref<256x256xf32, #tpu.memory_space<vmem>>, %arg8: memref<1x256xf32, #tpu.memory_space<vmem>>, %arg9: memref<2x1000x128xf32, #tpu.memory_space<vmem>>) attributes {dimension_semantics = [#tpu.dimension_semantics<arbitrary>], iteration_bounds = array<i64: 10>, scalar_prefetch = 0 : i64, scratch_operands = 0 : i64, tpu.core_type = #tpu.core_type<tc>, window_params = [{transform_indices = @transform_0, window_bounds = array<i64: 1000, 128>}, {transform_indices = @transform_1, window_bounds = array<i64: 1000, 128>}, {transform_indices = @transform_2, window_bounds = array<i64: 1000, 128>}, {transform_indices = @transform_3, window_bounds = array<i64: 1000, 128>}, {transform_indices = @transform_4, window_bounds = array<i64: 1000, 256>}, {pipeline_mode = #tpu.pipeline_mode<synchronous>, transform_indices = @transform_5, window_bounds = array<i64: 256, 256>}, {pipeline_mode = #tpu.pipeline_mode<synchronous>, transform_indices = @transform_6, window_bounds = array<i64: 256, 256>}, {pipeline_mode = #tpu.pipeline_mode<synchronous>, transform_indices = @transform_7, window_bounds = array<i64: 1, 256>}, {transform_indices = @transform_8, window_bounds = array<i64: 2, 1000, 128>}]} {
    %get3A = arith.constant 0 : index
    %get3A_0 = arith.constant 0 : index
    %get3A_1 = vector.load %arg3[%get3A, %get3A_0] : memref<1000x128xf32, #tpu.memory_space<vmem>>, vector<1000x128xf32>
    %get3A_2 = arith.constant 0 : index
    %get3A_3 = arith.constant 0 : index
    %get3A_4 = vector.load %arg4[%get3A_2, %get3A_3] : memref<1000x128xf32, #tpu.memory_space<vmem>>, vector<1000x128xf32>
    %slice3A = vector.extract_strided_slice %get3A_1 {offsets = [0, 0], sizes = [1000, 1], strides = [1, 1]} : vector<1000x128xf32> to vector<1000x1xf32>
    %slice3A_5 = vector.extract_strided_slice %get3A_4 {offsets = [0, 0], sizes = [1000, 1], strides = [1, 1]} : vector<1000x128xf32> to vector<1000x1xf32>
    %add3A = arith.addf %slice3A, %slice3A_5 : vector<1000x1xf32>
    %max3A = arith.constant 1.000000e+00 : f32
    %max3A_6 = vector.broadcast %max3A : f32 to vector<1000x1xf32>
    %max3A_7 = arith.maximumf %add3A, %max3A_6 : vector<1000x1xf32>
    %div3A = arith.constant 1.000000e+00 : f32
    %div3A_8 = vector.broadcast %div3A : f32 to vector<1000x1xf32>
    %div3A_9 = arith.divf %div3A_8, %max3A_7 : vector<1000x1xf32>
    %get3A_10 = arith.constant 0 : index
    %get3A_11 = arith.constant 0 : index
    %get3A_12 = vector.load %arg1[%get3A_10, %get3A_11] : memref<1000x128xf32, #tpu.memory_space<vmem>>, vector<1000x128xf32>
    %get3A_13 = arith.constant 0 : index
    %get3A_14 = arith.constant 0 : index
    %get3A_15 = vector.load %arg2[%get3A_13, %get3A_14] : memref<1000x128xf32, #tpu.memory_space<vmem>>, vector<1000x128xf32>
    %concatenate3A = tpu.concatenate %get3A_12, %get3A_15 in 1 : vector<1000x128xf32>, vector<1000x128xf32> -> vector<1000x256xf32>
    %mul3A = vector.broadcast %div3A_9 : vector<1000x1xf32> to vector<1000x256xf32>
    %mul3A_16 = arith.mulf %concatenate3A, %mul3A : vector<1000x256xf32>
    %get3A_17 = arith.constant 0 : index
    %get3A_18 = arith.constant 0 : index
    %get3A_19 = vector.load %arg6[%get3A_17, %get3A_18] : memref<256x256xf32, #tpu.memory_space<vmem>>, vector<256x256xf32>
    %dot_general3A = arith.constant dense<0.000000e+00> : vector<1000x256xf32>
    %dot_general3A_20 = tpu.matmul %mul3A_16, %get3A_19, %dot_general3A {dimension_numbers = #tpu.dot_dimension_numbers<[1], [1], [0], [0], [0, 0, 1, 0], [], []>, transpose_lhs_hint = false} : vector<1000x256xf32>, vector<256x256xf32>, vector<1000x256xf32> -> vector<1000x256xf32>
    %get3A_21 = arith.constant 0 : index
    %get3A_22 = arith.constant 0 : index
    %get3A_23 = vector.load %arg5[%get3A_21, %get3A_22] : memref<1000x256xf32, #tpu.memory_space<vmem>>, vector<1000x256xf32>
    %get3A_24 = arith.constant 0 : index
    %get3A_25 = arith.constant 0 : index
    %get3A_26 = vector.load %arg7[%get3A_24, %get3A_25] : memref<256x256xf32, #tpu.memory_space<vmem>>, vector<256x256xf32>
    %dot_general3A_27 = arith.constant dense<0.000000e+00> : vector<1000x256xf32>
    %dot_general3A_28 = tpu.matmul %get3A_23, %get3A_26, %dot_general3A_27 {dimension_numbers = #tpu.dot_dimension_numbers<[1], [1], [0], [0], [0, 0, 1, 0], [], []>, transpose_lhs_hint = false} : vector<1000x256xf32>, vector<256x256xf32>, vector<1000x256xf32> -> vector<1000x256xf32>
    %add3A_29 = arith.addf %dot_general3A_20, %dot_general3A_28 : vector<1000x256xf32>
    %get3A_30 = arith.constant 0 : index
    %get3A_31 = arith.constant 0 : index
    %get3A_32 = vector.load %arg8[%get3A_30, %get3A_31] : memref<1x256xf32, #tpu.memory_space<vmem>>, vector<1x256xf32>
    %add3A_33 = vector.broadcast %get3A_32 : vector<1x256xf32> to vector<1000x256xf32>
    %add3A_34 = arith.addf %add3A_29, %add3A_33 : vector<1000x256xf32>
    %max3A_35 = arith.constant 0.000000e+00 : f32
    %max3A_36 = vector.broadcast %max3A_35 : f32 to vector<1000x256xf32>
    %max3A_37 = arith.maximumf %add3A_34, %max3A_36 : vector<1000x256xf32>
    %slice3A_38 = vector.extract_strided_slice %max3A_37 {offsets = [0, 0], sizes = [1000, 128], strides = [1, 1]} : vector<1000x256xf32> to vector<1000x128xf32>
    %swap3A = arith.constant 0 : index
    %swap3A_39 = arith.constant 0 : index
    %swap3A_40 = arith.constant 0 : index
    %swap3A_41 = vector.load %arg9[%swap3A, %swap3A_39, %swap3A_40] : memref<2x1000x128xf32, #tpu.memory_space<vmem>>, vector<1x1000x128xf32>
    %swap3A_42 = vector.shape_cast %swap3A_41 : vector<1x1000x128xf32> to vector<1000x128xf32>
    %swap3A_43 = vector.shape_cast %slice3A_38 : vector<1000x128xf32> to vector<1x1000x128xf32>
    tpu.vector_store %arg9[%swap3A, %swap3A_39, %swap3A_40], %swap3A_43 {strides = array<i32>} : memref<2x1000x128xf32, #tpu.memory_space<vmem>>, vector<1x1000x128xf32>,
    %slice3A_44 = vector.extract_strided_slice %max3A_37 {offsets = [0, 128], sizes = [1000, 128], strides = [1, 1]} : vector<1000x256xf32> to vector<1000x128xf32>
    %swap3A_45 = arith.constant 1 : index
    %swap3A_46 = arith.constant 0 : index
    %swap3A_47 = arith.constant 0 : index
    %swap3A_48 = vector.load %arg9[%swap3A_45, %swap3A_46, %swap3A_47] : memref<2x1000x128xf32, #tpu.memory_space<vmem>>, vector<1x1000x128xf32>
    %swap3A_49 = vector.shape_cast %swap3A_48 : vector<1x1000x128xf32> to vector<1000x128xf32>
    %swap3A_50 = vector.shape_cast %slice3A_44 : vector<1000x128xf32> to vector<1x1000x128xf32>
    tpu.vector_store %arg9[%swap3A_45, %swap3A_46, %swap3A_47], %swap3A_50 {strides = array<i32>} : memref<2x1000x128xf32, #tpu.memory_space<vmem>>, vector<1x1000x128xf32>,
    return
  }
  func.func @transform_0(%arg0: i32) -> (i32, i32) {
    %c0_i32 = arith.constant 0 : i32
    %c0_i32_0 = arith.constant 0 : i32
    return %arg0, %c0_i32 : i32, i32
  }
  func.func @transform_1(%arg0: i32) -> (i32, i32) {
    %add3A = arith.constant 10 : i32
    %add3A_0 = arith.addi %arg0, %add3A : i32
    %c0_i32 = arith.constant 0 : i32
    %c0_i32_1 = arith.constant 0 : i32
    return %add3A_0, %c0_i32 : i32, i32
  }
  func.func @transform_2(%arg0: i32) -> (i32, i32) {
    %c0_i32 = arith.constant 0 : i32
    %c0_i32_0 = arith.constant 0 : i32
    return %arg0, %c0_i32 : i32, i32
  }
  func.func @transform_3(%arg0: i32) -> (i32, i32) {
    %add3A = arith.constant 10 : i32
    %add3A_0 = arith.addi %arg0, %add3A : i32
    %c0_i32 = arith.constant 0 : i32
    %c0_i32_1 = arith.constant 0 : i32
    return %add3A_0, %c0_i32 : i32, i32
  }
  func.func @transform_4(%arg0: i32) -> (i32, i32) {
    %c0_i32 = arith.constant 0 : i32
    %c0_i32_0 = arith.constant 0 : i32
    return %arg0, %c0_i32 : i32, i32
  }
  func.func @transform_5(%arg0: i32) -> (i32, i32) {
    %c0_i32 = arith.constant 0 : i32
    %c0_i32_0 = arith.constant 0 : i32
    %c0_i32_1 = arith.constant 0 : i32
    return %c0_i32, %c0_i32_0 : i32, i32
  }
  func.func @transform_6(%arg0: i32) -> (i32, i32) {
    %c0_i32 = arith.constant 0 : i32
    %c0_i32_0 = arith.constant 0 : i32
    %c0_i32_1 = arith.constant 0 : i32
    return %c0_i32, %c0_i32_0 : i32, i32
  }
  func.func @transform_7(%arg0: i32) -> (i32, i32) {
    %c0_i32 = arith.constant 0 : i32
    %c0_i32_0 = arith.constant 0 : i32
    %c0_i32_1 = arith.constant 0 : i32
    return %c0_i32, %c0_i32_0 : i32, i32
  }
  func.func @transform_8(%arg0: i32) -> (i32, i32, i32) {
    %c0_i32 = arith.constant 0 : i32
    %c0_i32_0 = arith.constant 0 : i32
    %c0_i32_1 = arith.constant 0 : i32
    return %c0_i32, %arg0, %c0_i32_0 : i32, i32, i32
  }
}

module attributes {stable_mosaic.version = 14 : i64} {
  func.func @_tc2_body(%arg0: i32, %arg1: memref<1000x128xf32, #tpu.memory_space<vmem>>, %arg2: memref<1000x128xf32, #tpu.memory_space<vmem>>, %arg3: memref<1000x128xf32, #tpu.memory_space<vmem>>, %arg4: memref<1000x128xf32, #tpu.memory_space<vmem>>, %arg5: memref<1x1000x128xf32, #tpu.memory_space<vmem>>, %arg6: memref<1x1000x128xf32, #tpu.memory_space<vmem>>, %arg7: memref<256x256xf32, #tpu.memory_space<vmem>>, %arg8: memref<256x256xf32, #tpu.memory_space<vmem>>, %arg9: memref<1x256xf32, #tpu.memory_space<vmem>>, %arg10: memref<256x256xf32, #tpu.memory_space<vmem>>, %arg11: memref<1x256xf32, #tpu.memory_space<vmem>>, %arg12: memref<1000x256xf32, #tpu.memory_space<vmem>>) attributes {dimension_semantics = [#tpu.dimension_semantics<arbitrary>], iteration_bounds = array<i64: 10>, scalar_prefetch = 0 : i64, scratch_operands = 0 : i64, tpu.core_type = #tpu.core_type<tc>, window_params = [{transform_indices = @transform_0, window_bounds = array<i64: 1000, 128>}, {transform_indices = @transform_1, window_bounds = array<i64: 1000, 128>}, {transform_indices = @transform_2, window_bounds = array<i64: 1000, 128>}, {transform_indices = @transform_3, window_bounds = array<i64: 1000, 128>}, {transform_indices = @transform_4, window_bounds = array<i64: 1, 1000, 128>}, {transform_indices = @transform_5, window_bounds = array<i64: 1, 1000, 128>}, {pipeline_mode = #tpu.pipeline_mode<synchronous>, transform_indices = @transform_6, window_bounds = array<i64: 256, 256>}, {pipeline_mode = #tpu.pipeline_mode<synchronous>, transform_indices = @transform_7, window_bounds = array<i64: 256, 256>}, {pipeline_mode = #tpu.pipeline_mode<synchronous>, transform_indices = @transform_8, window_bounds = array<i64: 1, 256>}, {pipeline_mode = #tpu.pipeline_mode<synchronous>, transform_indices = @transform_9, window_bounds = array<i64: 256, 256>}, {pipeline_mode = #tpu.pipeline_mode<synchronous>, transform_indices = @transform_10, window_bounds = array<i64: 1, 256>}, {transform_indices = @transform_11, window_bounds = array<i64: 1000, 256>}]} {
    %get3A = arith.constant 0 : index
    %get3A_0 = arith.constant 0 : index
    %get3A_1 = vector.load %arg3[%get3A, %get3A_0] : memref<1000x128xf32, #tpu.memory_space<vmem>>, vector<1000x128xf32>
    %get3A_2 = arith.constant 0 : index
    %get3A_3 = arith.constant 0 : index
    %get3A_4 = vector.load %arg4[%get3A_2, %get3A_3] : memref<1000x128xf32, #tpu.memory_space<vmem>>, vector<1000x128xf32>
    %slice3A = vector.extract_strided_slice %get3A_1 {offsets = [0, 0], sizes = [1000, 1], strides = [1, 1]} : vector<1000x128xf32> to vector<1000x1xf32>
    %slice3A_5 = vector.extract_strided_slice %get3A_4 {offsets = [0, 0], sizes = [1000, 1], strides = [1, 1]} : vector<1000x128xf32> to vector<1000x1xf32>
    %add3A = arith.addf %slice3A, %slice3A_5 : vector<1000x1xf32>
    %max3A = arith.constant 1.000000e+00 : f32
    %max3A_6 = vector.broadcast %max3A : f32 to vector<1000x1xf32>
    %max3A_7 = arith.maximumf %add3A, %max3A_6 : vector<1000x1xf32>
    %div3A = arith.constant 1.000000e+00 : f32
    %div3A_8 = vector.broadcast %div3A : f32 to vector<1000x1xf32>
    %div3A_9 = arith.divf %div3A_8, %max3A_7 : vector<1000x1xf32>
    %get3A_10 = arith.constant 0 : index
    %get3A_11 = arith.constant 0 : index
    %get3A_12 = vector.load %arg1[%get3A_10, %get3A_11] : memref<1000x128xf32, #tpu.memory_space<vmem>>, vector<1000x128xf32>
    %get3A_13 = arith.constant 0 : index
    %get3A_14 = arith.constant 0 : index
    %get3A_15 = vector.load %arg2[%get3A_13, %get3A_14] : memref<1000x128xf32, #tpu.memory_space<vmem>>, vector<1000x128xf32>
    %concatenate3A = tpu.concatenate %get3A_12, %get3A_15 in 1 : vector<1000x128xf32>, vector<1000x128xf32> -> vector<1000x256xf32>
    %mul3A = vector.broadcast %div3A_9 : vector<1000x1xf32> to vector<1000x256xf32>
    %mul3A_16 = arith.mulf %concatenate3A, %mul3A : vector<1000x256xf32>
    %get3A_17 = arith.constant 0 : index
    %get3A_18 = arith.constant 0 : index
    %get3A_19 = arith.constant 0 : index
    %get3A_20 = vector.load %arg5[%get3A_17, %get3A_18, %get3A_19] : memref<1x1000x128xf32, #tpu.memory_space<vmem>>, vector<1x1000x128xf32>
    %get3A_21 = vector.shape_cast %get3A_20 : vector<1x1000x128xf32> to vector<1000x128xf32>
    %get3A_22 = arith.constant 0 : index
    %get3A_23 = arith.constant 0 : index
    %get3A_24 = arith.constant 0 : index
    %get3A_25 = vector.load %arg6[%get3A_22, %get3A_23, %get3A_24] : memref<1x1000x128xf32, #tpu.memory_space<vmem>>, vector<1x1000x128xf32>
    %get3A_26 = vector.shape_cast %get3A_25 : vector<1x1000x128xf32> to vector<1000x128xf32>
    %concatenate3A_27 = tpu.concatenate %get3A_21, %get3A_26 in 1 : vector<1000x128xf32>, vector<1000x128xf32> -> vector<1000x256xf32>
    %get3A_28 = arith.constant 0 : index
    %get3A_29 = arith.constant 0 : index
    %get3A_30 = vector.load %arg7[%get3A_28, %get3A_29] : memref<256x256xf32, #tpu.memory_space<vmem>>, vector<256x256xf32>
    %dot_general3A = arith.constant dense<0.000000e+00> : vector<1000x256xf32>
    %dot_general3A_31 = tpu.matmul %mul3A_16, %get3A_30, %dot_general3A {dimension_numbers = #tpu.dot_dimension_numbers<[1], [1], [0], [0], [0, 0, 1, 0], [], []>, transpose_lhs_hint = false} : vector<1000x256xf32>, vector<256x256xf32>, vector<1000x256xf32> -> vector<1000x256xf32>
    %get3A_32 = arith.constant 0 : index
    %get3A_33 = arith.constant 0 : index
    %get3A_34 = vector.load %arg8[%get3A_32, %get3A_33] : memref<256x256xf32, #tpu.memory_space<vmem>>, vector<256x256xf32>
    %dot_general3A_35 = arith.constant dense<0.000000e+00> : vector<1000x256xf32>
    %dot_general3A_36 = tpu.matmul %concatenate3A_27, %get3A_34, %dot_general3A_35 {dimension_numbers = #tpu.dot_dimension_numbers<[1], [1], [0], [0], [0, 0, 1, 0], [], []>, transpose_lhs_hint = false} : vector<1000x256xf32>, vector<256x256xf32>, vector<1000x256xf32> -> vector<1000x256xf32>
    %add3A_37 = arith.addf %dot_general3A_31, %dot_general3A_36 : vector<1000x256xf32>
    %get3A_38 = arith.constant 0 : index
    %get3A_39 = arith.constant 0 : index
    %get3A_40 = vector.load %arg9[%get3A_38, %get3A_39] : memref<1x256xf32, #tpu.memory_space<vmem>>, vector<1x256xf32>
    %add3A_41 = vector.broadcast %get3A_40 : vector<1x256xf32> to vector<1000x256xf32>
    %add3A_42 = arith.addf %add3A_37, %add3A_41 : vector<1000x256xf32>
    %max3A_43 = arith.constant 0.000000e+00 : f32
    %max3A_44 = vector.broadcast %max3A_43 : f32 to vector<1000x256xf32>
    %max3A_45 = arith.maximumf %add3A_42, %max3A_44 : vector<1000x256xf32>
    %get3A_46 = arith.constant 0 : index
    %get3A_47 = arith.constant 0 : index
    %get3A_48 = vector.load %arg10[%get3A_46, %get3A_47] : memref<256x256xf32, #tpu.memory_space<vmem>>, vector<256x256xf32>
    %dot_general3A_49 = arith.constant dense<0.000000e+00> : vector<1000x256xf32>
    %dot_general3A_50 = tpu.matmul %max3A_45, %get3A_48, %dot_general3A_49 {dimension_numbers = #tpu.dot_dimension_numbers<[1], [1], [0], [0], [0, 0, 1, 0], [], []>, transpose_lhs_hint = false} : vector<1000x256xf32>, vector<256x256xf32>, vector<1000x256xf32> -> vector<1000x256xf32>
    %get3A_51 = arith.constant 0 : index
    %get3A_52 = arith.constant 0 : index
    %get3A_53 = vector.load %arg11[%get3A_51, %get3A_52] : memref<1x256xf32, #tpu.memory_space<vmem>>, vector<1x256xf32>
    %add3A_54 = vector.broadcast %get3A_53 : vector<1x256xf32> to vector<1000x256xf32>
    %add3A_55 = arith.addf %dot_general3A_50, %add3A_54 : vector<1000x256xf32>
    %swap3A = arith.constant 0 : index
    %swap3A_56 = arith.constant 0 : index
    %swap3A_57 = vector.load %arg12[%swap3A, %swap3A_56] : memref<1000x256xf32, #tpu.memory_space<vmem>>, vector<1000x256xf32>
    tpu.vector_store %arg12[%swap3A, %swap3A_56], %add3A_55 {strides = array<i32>} : memref<1000x256xf32, #tpu.memory_space<vmem>>, vector<1000x256xf32>,
    return
  }
  func.func @transform_0(%arg0: i32) -> (i32, i32) {
    %c0_i32 = arith.constant 0 : i32
    %c0_i32_0 = arith.constant 0 : i32
    return %arg0, %c0_i32 : i32, i32
  }
  func.func @transform_1(%arg0: i32) -> (i32, i32) {
    %add3A = arith.constant 10 : i32
    %add3A_0 = arith.addi %arg0, %add3A : i32
    %c0_i32 = arith.constant 0 : i32
    %c0_i32_1 = arith.constant 0 : i32
    return %add3A_0, %c0_i32 : i32, i32
  }
  func.func @transform_2(%arg0: i32) -> (i32, i32) {
    %c0_i32 = arith.constant 0 : i32
    %c0_i32_0 = arith.constant 0 : i32
    return %arg0, %c0_i32 : i32, i32
  }
  func.func @transform_3(%arg0: i32) -> (i32, i32) {
    %add3A = arith.constant 10 : i32
    %add3A_0 = arith.addi %arg0, %add3A : i32
    %c0_i32 = arith.constant 0 : i32
    %c0_i32_1 = arith.constant 0 : i32
    return %add3A_0, %c0_i32 : i32, i32
  }
  func.func @transform_4(%arg0: i32) -> (i32, i32, i32) {
    %c0_i32 = arith.constant 0 : i32
    %c0_i32_0 = arith.constant 0 : i32
    %c0_i32_1 = arith.constant 0 : i32
    return %c0_i32, %arg0, %c0_i32_0 : i32, i32, i32
  }
  func.func @transform_5(%arg0: i32) -> (i32, i32, i32) {
    %c1_i32 = arith.constant 1 : i32
    %c0_i32 = arith.constant 0 : i32
    %c0_i32_0 = arith.constant 0 : i32
    return %c1_i32, %arg0, %c0_i32 : i32, i32, i32
  }
  func.func @transform_6(%arg0: i32) -> (i32, i32) {
    %c0_i32 = arith.constant 0 : i32
    %c0_i32_0 = arith.constant 0 : i32
    %c0_i32_1 = arith.constant 0 : i32
    return %c0_i32, %c0_i32_0 : i32, i32
  }
  func.func @transform_7(%arg0: i32) -> (i32, i32) {
    %c0_i32 = arith.constant 0 : i32
    %c0_i32_0 = arith.constant 0 : i32
    %c0_i32_1 = arith.constant 0 : i32
    return %c0_i32, %c0_i32_0 : i32, i32
  }
  func.func @transform_8(%arg0: i32) -> (i32, i32) {
    %c0_i32 = arith.constant 0 : i32
    %c0_i32_0 = arith.constant 0 : i32
    %c0_i32_1 = arith.constant 0 : i32
    return %c0_i32, %c0_i32_0 : i32, i32
  }
  func.func @transform_9(%arg0: i32) -> (i32, i32) {
    %c0_i32 = arith.constant 0 : i32
    %c0_i32_0 = arith.constant 0 : i32
    %c0_i32_1 = arith.constant 0 : i32
    return %c0_i32, %c0_i32_0 : i32, i32
  }
  func.func @transform_10(%arg0: i32) -> (i32, i32) {
    %c0_i32 = arith.constant 0 : i32
    %c0_i32_0 = arith.constant 0 : i32
    %c0_i32_1 = arith.constant 0 : i32
    return %c0_i32, %c0_i32_0 : i32, i32
  }
  func.func @transform_11(%arg0: i32) -> (i32, i32) {
    %c0_i32 = arith.constant 0 : i32
    %c0_i32_0 = arith.constant 0 : i32
    return %arg0, %c0_i32 : i32, i32
  }
}

</mosaic_0001>

<sc_bundles>
// kernel: kernel.6.cloned.1.call-start
scs
__scs_entry_jumppad:
0x0: {  	(pc) =	sbr.rel $0x88, $3  }
0x1: {  	(tag) =	ssettag $0x0;
	lr =	simm.s32 $0x1  }
0x2: {  	[smem:$0x3F97] =	sst lr;
	_ =	strace $0xD0000000  }
0x3: {  	_ = 	snop  }
0x4: {  	_ = 	snop  }
0x5: {  	_ = 	snop  }
0x6: {  	_ = 	snop  }
0x7: {  	_ = 	snop  }
__scs_overlays_trampoline_lowered:
0x8: {  	[smem:$0x3FA6] =	sst s0  }
0x9: {  	[smem:$0x3FA7] =	sst s1  }
0xa: {  	[smem:$0x3FA8] =	sst s2  }
0xb: {  	[smem:$0x3FA9] =	sst s3  }
0xc: {  	[smem:$0x3FAA] =	sst s4  }
0xd: {  	[smem:$0x3FAB] =	sst s5  }
0xe: {  	[smem:$0x3FAC] =	sst s6  }
0xf: {  	[smem:$0x3FAD] =	sst s7  }
0x10: {  	[smem:$0x3FAE] =	sst s8  }
0x11: {  	[smem:$0x3FAF] =	sst s9;
	s0 =	simm.s32 @!p0 $0x0  }
0x12: {  	s1 =	sld [smem:$0x3F95];
	s0 =	simm.s32 @p0 $0x1  }
0x13: {  	[smem:$0x3FB0] =	sst s0;
	s0 =	simm.s32 @!p1 $0x0  }
0x14: {  	s2 =	sld [smem:$0x3F94];
	s0 =	simm.s32 @p1 $0x1  }
0x15: {  	[smem:$0x3FB1] =	sst s0;
	s0 =	simm.s32 @!p2 $0x0  }
0x16: {  	s3 =	sld [smem:$0x3FDB];
	s0 =	simm.s32 @p2 $0x1  }
0x17: {  	s4 =	simm.s32 $0x1BF5;
	[smem:$0x3FB3] =	sst s0  }
0x18: {  	s0 =	sld [smem:$0x3F96];
	_ =	swait.ge [sflag:s4], $0x0  }
0x19: {  	s7 =	sld [smem:$0x3F97]  }
0x1a: {  	s8 =	sadd.s32 $0xFFFFE003, lr  }
0x1b: {  	s9 =	sadd.s32 $0xFFFFFEF7, lr;
	s5 =	simm.s32 $0xFFFFFFFF;
	p2 =	slt.u32 s8, $0xFFFFF086  }
0x1c: {  	p1 =	slt.u32 s9, $0xF7A;
	s5 =	simm.s32 @!p2 $0x0  }
0x1d: {  	s5 =	simm.s32 @p1 $0x1;
	p0 =	seq.s32 s7, s2  }
0x1e: {  	s7 =	smul.u32 @!p0 $0xF7A, s2;
	p2 =	seq.s32 @!p0 s5, $0x0  }
0x1f: {  	s9 =	smul.u32 $0xF7A, s1;
	s8 =	simm.s32 @!p0 $0x1BF5;
	p2 =	por !p2, p0  }
0x20: {  	[sflag:s8] =	ssyncset.s32 @!p0 $0xFFFFF086;
	s6 =	sadd.s32 @!p0 s3, s7;
	s7 =	simm.s32 @!p0 $0x108  }
0x21: {  	s3 =	sadd.s32 s3, s9;
	s6 =	sadd.s32 @!p0 $0x88, s6;
	s7 =	simm.s32 @p2 $0x1082  }
0x22: {  	[simem:s7], [sflag:s8] =	dma.local @!p0 [hbm:s6], $0xF7A  }
0x23: {  	s9 =	sor.u32 $0xD0000000, s2;
	s6 =	simm.s32 $0x108;
	_ =	swait.ge @!p0 [sflag:s8], $0x0  }
0x24: {  	s3 =	sadd.s32 $0x88, s3;
	s6 =	simm.s32 @!p1 $0x1082;
	[sflag:s4] =	ssyncset.s32 $0xFFFFF086  }
0x25: {  	[simem:s6], [sflag:s4] =	dma.local [hbm:s3], $0xF7A  }
0x26: {  	[smem:$0x3F97] =	sst s1;
	(tag) =	ssettag s2;
	_ =	strace s9  }
0x27: {  	s1 =	sld [smem:$0x3FA7]  }
0x28: {  	s2 =	sld [smem:$0x3FA8]  }
0x29: {  	s4 =	sld [smem:$0x3FAA]  }
0x2a: {  	p0 =	seq.s32 s5, $0x0;
	s5 =	sld [smem:$0x3FAB]  }
0x2b: {  	s6 =	sld [smem:$0x3FAC]  }
0x2c: {  	s7 =	sld [smem:$0x3FAD]  }
0x2d: {  	s3 =	simm.s32 $0x108;
	s8 =	sld [smem:$0x3FAE]  }
0x2e: {  	s3 =	simm.s32 @!p0 $0x1082;
	s9 =	sld [smem:$0x3FAF]  }
0x2f: {  	lr =	sadd.s32 s0, s3;
	s0 =	sld [smem:$0x3FA6]  }
0x30: {  	s3 =	sld [smem:$0x3FA9]  }
0x31: {  	[smem:$0x3FB2] =	sst s10  }
0x32: {  	s10 =	sld [smem:$0x3FB0];
	_ =	sdelay $0x3  }
0x33: {  	p0 =	seq.s32 s10, $0x1;
	s10 =	sld [smem:$0x3FB2];
	_ =	sdelay $0x3  }
0x34: {  	[smem:$0x3FB2] =	sst s10  }
0x35: {  	s10 =	sld [smem:$0x3FB1];
	_ =	sdelay $0x3  }
0x36: {  	p1 =	seq.s32 s10, $0x1;
	s10 =	sld [smem:$0x3FB2];
	_ =	sdelay $0x3  }
0x37: {  	[smem:$0x3FB2] =	sst s10  }
0x38: {  	s10 =	sld [smem:$0x3FB3]  }
0x39: {  	_ = 	snop;
	(pc) =	sbr.ind lr, $3  }
0x3a: {  	_ = 	snop  }
0x3b: {  	_ = 	snop  }
0x3c: {  	p2 =	seq.s32 s10, $0x1;
	s10 =	sld [smem:$0x3FB2]  }
0x3d: {  	_ =	shalt  }
0x3e: {  	_ =	shalt  }
0x3f: {  	_ =	shalt  }
0x40: {  	_ =	shalt  }
0x41: {  	_ =	shalt  }
0x42: {  	_ =	shalt  }
0x43: {  	_ =	shalt  }
0x44: {  	_ =	shalt  }
0x45: {  	_ =	shalt  }
0x46: {  	_ =	shalt  }
0x47: {  	_ =	shalt  }
0x48: {  	_ =	shalt  }
0x49: {  	_ =	shalt  }
0x4a: {  	_ =	shalt  }
0x4b: {  	_ =	shalt  }
0x4c: {  	_ =	shalt  }
0x4d: {  	_ =	shalt  }
0x4e: {  	_ =	shalt  }
0x4f: {  	_ =	shalt  }
0x50: {  	_ =	shalt  }
0x51: {  	_ =	shalt  }
0x52: {  	_ =	shalt  }
0x53: {  	_ =	shalt  }
0x54: {  	_ =	shalt  }
0x55: {  	_ =	shalt  }
0x56: {  	_ =	shalt  }
0x57: {  	_ =	shalt  }
0x58: {  	_ =	shalt  }
0x59: {  	_ =	shalt  }
0x5a: {  	_ =	shalt  }
0x5b: {  	_ =	shalt  }
0x5c: {  	_ =	shalt  }
0x5d: {  	_ =	shalt  }
0x5e: {  	_ =	shalt  }
0x5f: {  	_ =	shalt  }
0x60: {  	_ =	shalt  }
0x61: {  	_ =	shalt  }
0x62: {  	_ =	shalt  }
0x63: {  	_ =	shalt  }
0x64: {  	_ =	shalt  }
0x65: {  	_ =	shalt  }
0x66: {  	_ =	shalt  }
0x67: {  	_ =	shalt  }
0x68: {  	_ =	shalt  }
0x69: {  	_ =	shalt  }
0x6a: {  	_ =	shalt  }
0x6b: {  	_ =	shalt  }
0x6c: {  	_ =	shalt  }
0x6d: {  	_ =	shalt  }
0x6e: {  	_ =	shalt  }
0x6f: {  	_ =	shalt  }
0x70: {  	_ =	shalt  }
0x71: {  	_ =	shalt  }
0x72: {  	_ =	shalt  }
0x73: {  	_ =	shalt  }
0x74: {  	_ =	shalt  }
0x75: {  	_ =	shalt  }
0x76: {  	_ =	shalt  }
0x77: {  	_ =	shalt  }
0x78: {  	_ =	shalt  }
0x79: {  	_ =	shalt  }
0x7a: {  	_ =	shalt  }
0x7b: {  	_ =	shalt  }
0x7c: {  	_ =	shalt  }
0x7d: {  	_ =	shalt  }
0x7e: {  	_ =	shalt  }
0x7f: {  	_ =	shalt  }
0x80: {  	_ =	shalt  }
0x81: {  	_ =	shalt  }
0x82: {  	_ =	shalt  }
0x83: {  	_ =	shalt  }
0x84: {  	_ =	shalt  }
0x85: {  	_ =	shalt  }
0x86: {  	_ =	shalt  }
0x87: {  	_ =	shalt  }
.Lfunc_end0:
.L_simem_size_0:
called_computation_lowered:
.L_overlay_start_0:
0x88: {  	s2 =	sld [smem:$0x3FD9]  }
0x89: {  	s3 =	sld [smem:$0x3FFE];
	_ =	sdelay $0x1  }
0x8a: {  	s1 =	srdreg.scid  }
0x8b: {  	s0 =	sand.u32 $0x1, s1  }
0x8c: {  	s17 =	sshll.u32 s0, $0xA;
	s2 =	sadd.s32 s3, s2  }
0x8d: {  	s2 =	sadd.s32 s2, s17  }
0x8e: {  	[smem:$0x3FBE] =	sst s2  }
0x8f: {  	_ = 	snop  }
0x90: {  	s2 =	sld [smem:$0x3FD0];
	(tm) =	ssettm $0x1  }
0x91: {  	s18 =	sld [smem:$0x3FFB];
	_ =	sdelay $0x3  }
0x92: {  	_ =	strace s18  }
0x93: {  	s3 =	sld [smem:$0x3FFC];
	_ =	sdelay $0x3  }
0x94: {  	_ =	strace s3  }
0x95: {  	s3 =	sld [smem:$0x3FFD];
	_ =	sdelay $0x3  }
0x96: {  	_ =	strace s3  }
0x97: {  	_ =	strace $0x8FFFFFFF  }
0x98: {  	s19 =	sld [smem:$0x3FDB];
	_ =	sdelay $0x1  }
0x99: {  	s4 =	simm.s32 $_scs_section_size  }
0x9a: {  	s5 =	simm.s32 $_size__tile_overlayer_lowered;
	s6 =	simm.s32 $_tile_overlayer_lowered  }
0x9b: {  	s22 =	simm.s32 $0x1BFF;
	s21 =	sshll.u32 s6, $0x1;
	s3 =	sadd.s32 s4, s19  }
0x9c: {  	s7 =	simm.s32 $0x0;
	s20 =	sshll.u32 s5, $0x1;
	s5 =	sadd.s32 s21, s3  }
0x9d: {  	[timem:s7], [sflag:s22] =	dma.local [hbm:s5], s20  }
0x9e: {  	_ =	swait.ge [sflag:s22], s20  }
0x9f: {  	s4 =	ssub.s32 $0x0, s20;
	[sflag:s22] =	ssyncset.done $0x0  }
0xa0: {  	[sflag:s22] =	ssyncadd.s32 s4;
	_ =	sdelay $0x1  }
0xa1: {  	s23 =	simm.s32 $0x1B8B  }
0xa2: {  	_ =	swait.ge [sflag:s23], $0x1  }
0xa3: {  	[sflag:s23] =	ssyncset.done $0x0  }
0xa4: {  	s25 =	simm.s32 $0x1B8E;
	s24 =	sld [smem:$0x3FFE];
	[sflag:s23] =	ssyncadd.s32 $0xFFFFFFFF  }
0xa5: {  	s26 =	simm.s32 $execute0_lowered;
	[smem:$0x3FD2] =	sst s25  }
0xa6: {  	s5 =	sshll.u32 s26, $0x1;
	_ =	strace $0x80000046;
	[dreg:$0x1] =	wrdreg $0xFFFFFFFF  }
0xa7: {  	s28 =	simm.s32 $_size_execute0_lowered;
	s3 =	sadd.s32 s3, s5;
	[dreg:$0x0] =	wrdreg $0x0  }
0xa8: {  	s5 =	sshll.u32 s28, $0x1;
	[dreg:$0x2] =	wrdreg s3  }
0xa9: {  	[dreg:$0x3] =	wrdreg s5  }
0xaa: {  	[dreg:$0x4] =	wrdreg $0xC0  }
0xab: {  	_ =	task [dreg:s7], $0x5FFFF  }
0xac: {  	[dreg:$0x1] =	wrdreg $0xFFFFFFFF  }
0xad: {  	[dreg:$0x0] =	wrdreg $0x60  }
0xae: {  	[dreg:$0x2] =	wrdreg s2  }
0xaf: {  	[dreg:$0x3] =	wrdreg s24  }
0xb0: {  	[dreg:$0x4] =	wrdreg $0x8B800  }
0xb1: {  	[dreg:$0x5] =	wrdreg $0x9  }
0xb2: {  	_ =	task.clear_ibuf [dreg:s7], $0x6FFFF;
	_ =	strace $0x90000046  }
0xb3: {  	s29 =	simm.s32 $0x9;
	_ =	strace $0x80000048  }
0xb4: {  	_ =	swait.ge [sflag:s29], $0x1  }
0xb5: {  	[sflag:s29] =	ssyncadd.s32 $0xFFFFFFFF  }
0xb6: {  	_ =	strace $0x90000048  }
0xb7: {  	_ =	sfence  }
0xb8: {  	s30 =	sld [smem:$0x0];
	_ =	sdelay $0x2  }
0xb9: {  	s31 =	sshll.u32 s1, $0xD;
	s1 =	sshrl.u32 s1, $0x2  }
0xba: {  	s3 =	sand.u32 $0x4000, s31;
	s1 =	sadd.s32 s1, s30  }
0xbb: {  	s0 =	sor.u32 s3, s0;
	s1 =	sshll.u32 s1, $0x11  }
0xbc: {  	s0 =	sor.u32 s1, s0  }
0xbd: {  	s0 =	sadd.s32 $0x8F2B, s0  }
0xbe: {  	[sflag:s0] =	ssyncadd.remote.s32 $0x1  }
0xbf: {  	_ =	sfence.sel $0xFFFF  }
0xc0: {  	[dreg:$0x0] =	wrdreg $0xFFFFFFFF;
	(pc) =	sbr.abs _section_cstart, $3  }
0xc1: {  	[dreg:$0x1] =	wrdreg $0xFFFFFFFF  }
0xc2: {  	_ =	task.clear_ibuf [dreg:s7], $0x2FFFF;
	_ =	strace $0x9FFFFFFF  }
0xc3: {  	(tm) =	ssettm $0x7FFFFFFF  }
tec
execute0_lowered:
.L_overlay_start_1:
0x0: {  	(tag) =	ssettag $0x1  }
0x1: {  	s1 =	rddreg [dreg:$0x0]  }
0x2: {  	s0 =	rddreg [dreg:$0x1]  }
0x3: {  	s2 =	rddreg [dreg:$0x2];
	s3 =	simm.s32 $0x0  }
0x4: {  	s7 =	srdreg.scid;
	s16 =	stileid.u32;
	s28 =	simm.s32 $0x3  }
0x5: {  	s29 =	simm.s32 $0x80;
	s31 =	simm.s32 $0x180;
	[smem:$0x7FF] =	sst s3  }
0x6: {  	s5 =	sadd.s32 $0x7600, s0;
	s4 =	sadd.s32 $0x2600, s0;
	s22 =	smul.u32 $0x4E000, s16  }
0x7: {  	s6 =	sadd.s32 $0x11C00, s0;
	s8 =	sadd.s32 $0x11400, s0;
	s13 =	smul.u32 $0x1388, s16  }
0x8: {  	s7 =	sand.u32 $0x1, s7;
	s9 =	sadd.s32 $0x62600, s0;
	s24 =	smul.u32 $0x2700, s16  }
0x9: {  	s0 =	sadd.s32 $0x14400, s0;
	s25 =	sadd.s32 $0x124800, s2;
	s26 =	smul.u32 $0x2710, s16  }
0xa: {  	p0 =	seq.s32 s16, $0xF;
	_ =	strace $0x80000047;
	s11 =	smul.u32 $0x13880, s7  }
0xb: {  	[dreg:$0x4] =	wrdreg s8;
	s10 =	ssub.s32 $0x2, s7;
	s14 =	smul.u32 $0x27100, s7  }
0xc: {  	[dreg:$0x6] =	wrdreg s25;
	s7 =	smul.u32 $0x138800, s7;
	s12 =	sshrl.u32 s10, $0x1  }
0xd: {  	s8 =	sshrl.u32 s22, $0x2;
	s22 =	smul.u32 $0x4E2, s16;
	s16 =	simm.s32 $0x0  }
0xe: {  	s12 =	ssub.s32 s10, s12;
	s8 =	sadd.s32 s8, s2;
	s23 =	sadd.s32 s13, s11  }
0xf: {  	s30 =	sadd.s32 s24, s14;
	s18 =	sadd.s32 s26, s14;
	s7 =	sshrl.u32 s7, $0x3  }
0x10: {  	s11 =	simm.s32 $0x280;
	[dreg:$0x5] =	wrdreg s8;
	s8 =	sshrl.u32 s23, $0x3  }
0x11: {  	s17 =	sadd.s32 s9, s30;
	s14 =	sshrl.u32 s18, $0x3;
	s7 =	sadd.s32 $0x24900, s7  }
0x12: {  	s23 =	smax.u32 s12, $0x1;
	s25 =	sadd.s32 $0x80, s18;
	s22 =	sadd.s32 s22, s4  }
0x13: {  	s12 =	simm.s32 $0x10;
	s10 =	sadd.s32 s8, s4;
	[dreg:$0x8] =	wrdreg s17  }
0x14: {  	s19 =	sadd.s32 s5, s14;
	s9 =	sadd.s32 s9, s7;
	[dreg:$0xf] =	wrdreg s23  }
0x15: {  	s8 =	sadd.s32 s0, s30;
	s0 =	sadd.s32 s0, s7;
	[dreg:$0xa] =	wrdreg s9  }
0x16: {  	s30 =	sshrl.u32 s25, $0x3;
	s25 =	sadd.s32 $0x100, s18;
	[dreg:$0xd] =	wrdreg s8  }
0x17: {  	s7 =	simm.s32 $0x1;
	s15 =	sadd.s32 $0x270, s10;
	[dreg:$0xe] =	wrdreg s0  }
0x18: {  	s20 =	sadd.s32 $0x4E0, s19;
	[dreg:$0x9] =	wrdreg s19;
	s24 =	sadd.s32 $0x4D0, s19  }
0x19: {  	s0 =	simm.s32 $0x100;
	[dreg:$0x7] =	wrdreg s15;
	s15 =	sshrl.u32 s26, $0x3  }
0x1a: {  	s8 =	simm.s32 $0x2;
	[dreg:$0xb] =	wrdreg s20;
	s14 =	sadd.s32 s4, s15  }
0x1b: {  	[dreg:$0x10] =	wrdreg s24;
	s24 =	sadd.s32 s30, s5;
	s21 =	sadd.s32 $0x4E0, s14  }
0x1c: {  	s4 =	simm.s32 $0x4380;
	s26 =	sadd.s32 $0x4D0, s14;
	[dreg:$0xc] =	wrdreg s21  }
0x1d: {  	s15 =	simm.s32 $0x8380;
	[dreg:$0x11] =	wrdreg s26;
	s26 =	simm.s32 $0x380  }
.LBB2_1:
0x1e: {  	s9 =	rddreg [dreg:$0x6]  }
0x1f: {  	s18 =	simm.s32 @p0 $0x1FC3;
	s17 =	sshrl.u32 @p0 s9, $0x3  }
0x20: {  	[spmem:s17], [sflag:s18] =	dma.local @p0 [hbm:s6], $0x2800  }
0x21: {  	s18 =	simm.s32 @p0 $0x3  }
0x22: {  	s20 =	simm.s32 @!p0 $0x3;
	s9 =	stileid.u32;
	_ =	swait.ge @p0 [sflag:s18], $0x2800  }
0x23: {  	s19 =	sshll.u32 @!p0 s9, $0x6;
	[sflag:s18] =	ssyncset.done @p0 $0x0;
	s9 =	rddreg [dreg:$0x5]  }
0x24: {  	[sflag:s18] =	ssyncadd.s32 @p0 $0xFFFFD800;
	s18 =	sor.u32 @!p0 $0x1C03, s19;
	s19 =	sshrl.u32 @!p0 s9, $0x3  }
0x25: {  	[spmem:s19], [sflag:s18] =	dma.local @!p0 [hbm:s6], $0x2700  }
0x26: {  	_ =	swait.ge @!p0 [sflag:s20], $0x2700  }
0x27: {  	[sflag:s20] =	ssyncset.done @!p0 $0x0  }
0x28: {  	s23 =	rddreg [dreg:$0x4];
	[sflag:s20] =	ssyncadd.s32 @!p0 $0xFFFFD900  }
0x29: {  	[tilespmem:s26], [sflag:$0x3] =	stream.linear.gather [hbm4b:s23+s3], $0x4000, $0x38;
	[tilespmem:$0x1C400] =	vst v63  }
0x2a: {  	_ =	swait.ge [sflag:s28], $0x4000  }
0x2b: {  	[sflag:s28] =	ssyncset.done $0x0  }
0x2c: {  	[sflag:s28] =	ssyncadd.s32 $0xFFFFC000  }
0x2d: {  	s30 =	sadd.s32 $0x0, s10;
	[bflag:$0x0] =	sbarrier.arrive $0xFFFF  }
0x2e: {  	[tilespmem:s29], [sflag:$0x3] =	stream.linear.gather [hbm4b:s30+s3], $0x80, $0x38;
	[tilespmem:$0x1C400] =	vst v63  }
0x2f: {  	_ =	swait.ge [sflag:s28], $0x80  }
0x30: {  	[sflag:s28] =	ssyncset.done $0x0  }
0x31: {  	[sflag:s28] =	ssyncadd.s32 $0xFFFFFF80  }
0x32: {  	[spmem:s2] =	stream.indirect.scatter.add.f32 [tilespmem:s26], [sflag:$0x3], $0x80, s29, s29, $0xb8;
	[tilespmem:$0x1C400] =	vst v63  }
0x33: {  	_ =	swait.ge [sflag:s28], $0x4000  }
0x34: {  	s21 =	simm.s32 $0x20;
	s20 =	simm.s32 $0x10;
	[sflag:s28] =	ssyncset.done $0x0  }
.LBB2_2:
0x35: {  	s23 =	sadd.s32 s20, s10  }
0x36: {  	[sflag:s28] =	ssyncadd.s32 $0xFFFFC000;
	s20 =	smov.u32 s21;
	s30 =	sadd.s32 $0x10, s21  }
0x37: {  	[tilespmem:s29], [sflag:$0x3] =	stream.linear.gather [hbm4b:s23+s3], $0x80, $0x38;
	[tilespmem:$0x1C400] =	vst v63  }
0x38: {  	p1 =	sne.s32 s21, $0x260;
	_ =	swait.ge [sflag:s28], $0x80  }
.Ltmp0:
0x39: {  	[sflag:s28] =	ssyncset.done $0x0;
	(pc) =	sbr.rel @p1 .LBB2_2-.Ltmp0, $4  }
0x3a: {  	[sflag:s28] =	ssyncadd.s32 $0xFFFFFF80  }
0x3b: {  	[spmem:s2] =	stream.indirect.scatter.add.f32 [tilespmem:s26], [sflag:$0x3], $0x80, s29, s29, $0xb8;
	[tilespmem:$0x1C400] =	vst v63  }
0x3c: {  	_ =	swait.ge [sflag:s28], $0x4000  }
0x3d: {  	s21 =	smov.u32 s30;
	[sflag:s28] =	ssyncset.done $0x0  }
0x3e: {  	s20 =	sadd.s32 s20, s10;
	[sflag:s28] =	ssyncadd.s32 $0xFFFFC000  }
0x3f: {  	[tilespmem:s29], [sflag:$0x3] =	stream.linear.gather [hbm4b:s20+s3], $0x80, $0x38;
	[tilespmem:$0x1C400] =	vst v63  }
0x40: {  	_ =	swait.ge [sflag:s28], $0x80  }
0x41: {  	[sflag:s28] =	ssyncset.done $0x0  }
0x42: {  	[sflag:s28] =	ssyncadd.s32 $0xFFFFFF80  }
0x43: {  	[spmem:s2] =	stream.indirect.scatter.add.f32 [tilespmem:s26], [sflag:$0x3], $0x80, s29, s29, $0xb8;
	[tilespmem:$0x1C400] =	vst v63  }
0x44: {  	_ =	swait.ge [sflag:s28], $0x4000  }
0x45: {  	[sflag:s28] =	ssyncset.done $0x0  }
0x46: {  	s13 =	simm.s32 $0x300;
	s9 =	rddreg [dreg:$0x7];
	[sflag:s28] =	ssyncadd.s32 $0xFFFFC000  }
0x47: {  	[tilespmem:s13], [sflag:$0x3] =	stream.linear.gather [hbm4b:s9+s3], $0x8, $0x38;
	[tilespmem:$0x1C400] =	vst v63  }
0x48: {  	_ =	swait.ge [sflag:s28], $0x8  }
0x49: {  	[sflag:s28] =	ssyncset.done $0x0  }
0x4a: {  	s21 =	simm.s32 $0x8;
	[sflag:s28] =	ssyncadd.s32 $0xFFFFFFF8  }
0x4b: {  	[spmem:s2] =	stream.indirect.scatter.add.f32 [tilespmem:s26], [sflag:$0x3], $0x80, s13, s21, $0xb8;
	[tilespmem:$0x1C400] =	vst v63  }
0x4c: {  	_ =	swait.ge [sflag:s28], $0x400  }
0x4d: {  	[sflag:s28] =	ssyncset.done $0x0  }
0x4e: {  	[sflag:s28] =	ssyncadd.s32 $0xFFFFFC00  }
0x4f: {  	[bflag:$0x0] =	sbarrier.arrive $0xFFFF  }
0x50: {  	s20 =	simm.s32 @p0 $0x1FC3;
	s21 =	simm.s32 @p0 $0x3;
	s9 =	rddreg [dreg:$0xa]  }
0x51: {  	[hbm:s9], [sflag:s20] =	dma.local @p0 [spmem:s17], $0x2800  }
0x52: {  	_ =	swait.ge @p0 [sflag:s21], $0x2800  }
0x53: {  	[sflag:s21] =	ssyncset.done @p0 $0x0  }
0x54: {  	[sflag:s21] =	ssyncadd.s32 @p0 $0xFFFFD800  }
0x55: {  	[spmem:s17], [sflag:s20] =	dma.local @p0 [hbm:s6], $0x2800  }
0x56: {  	_ =	swait.ge @p0 [sflag:s21], $0x2800  }
0x57: {  	[sflag:s21] =	ssyncset.done @p0 $0x0  }
0x58: {  	s20 =	simm.s32 @!p0 $0x3;
	s9 =	rddreg [dreg:$0x8];
	[sflag:s21] =	ssyncadd.s32 @p0 $0xFFFFD800  }
0x59: {  	[hbm:s9], [sflag:s18] =	dma.local @!p0 [spmem:s19], $0x2700  }
0x5a: {  	_ =	swait.ge @!p0 [sflag:s20], $0x2700  }
0x5b: {  	[sflag:s20] =	ssyncset.done @!p0 $0x0  }
0x5c: {  	[sflag:s20] =	ssyncadd.s32 @!p0 $0xFFFFD900  }
0x5d: {  	[spmem:s19], [sflag:s18] =	dma.local @!p0 [hbm:s6], $0x2700  }
0x5e: {  	_ =	swait.ge @!p0 [sflag:s20], $0x2700  }
0x5f: {  	[sflag:s20] =	ssyncset.done @!p0 $0x0  }
0x60: {  	[sflag:s20] =	ssyncadd.s32 @!p0 $0xFFFFD900  }
0x61: {  	[bflag:$0x0] =	sbarrier.arrive $0xFFFF  }
0x62: {  	s23 =	simm.s32 $0x0;
	s30 =	rddreg [dreg:$0x9]  }
0x63: {  	[tilespmem:s23], [sflag:$0x3] =	stream.linear.gather [hbm4b:s30+s23], $0x80, $0x38;
	[tilespmem:$0x1C400] =	vst v63  }
0x64: {  	_ =	swait.ge [sflag:s28], $0x80  }
0x65: {  	[sflag:s28] =	ssyncset.done $0x0  }
0x66: {  	[sflag:s28] =	ssyncadd.s32 $0xFFFFFF80  }
0x67: {  	[tilespmem:s29], [sflag:$0x3] =	stream.linear.gather [hbm4b:s14+s23], $0x80, $0x38;
	[tilespmem:$0x1C400] =	vst v63  }
0x68: {  	_ =	swait.ge [sflag:s28], $0x80  }
0x69: {  	[sflag:s28] =	ssyncset.done $0x0  }
0x6a: {  	[sflag:s28] =	ssyncadd.s32 $0xFFFFFF80  }
0x6b: {  	[tilespmem:s26], [sflag:$0x1] =	stream.indirect.gather [hbm4b:s1+s29], $0x80, s23, s29, $0xb8;
	[tilespmem:$0x1C400] =	vst v63  }
0x6c: {  	s9 =	sadd.s32 $0x0, s24  }
0x6d: {  	[tilespmem:s0], [sflag:$0x3] =	stream.linear.gather [hbm4b:s9+s3], $0x80, $0x38;
	[tilespmem:$0x1C400] =	vst v63  }
0x6e: {  	_ =	swait.ge [sflag:s28], $0x80  }
0x6f: {  	s13 =	sadd.s32 $0x0, s22;
	[sflag:s28] =	ssyncset.done $0x0  }
0x70: {  	s23 =	sadd.s32 $0x10, s13;
	[sflag:s28] =	ssyncadd.s32 $0xFFFFFF80  }
0x71: {  	[tilespmem:s31], [sflag:$0x3] =	stream.linear.gather [hbm4b:s23+s3], $0x80, $0x38;
	[tilespmem:$0x1C400] =	vst v63  }
0x72: {  	_ =	swait.ge [sflag:s28], $0x80  }
0x73: {  	[sflag:s28] =	ssyncset.done $0x0  }
0x74: {  	[sflag:s28] =	ssyncadd.s32 $0xFFFFFF80  }
0x75: {  	[tilespmem:s4], [sflag:$0x2] =	stream.indirect.gather [hbm4b:s1+s29], $0x80, s0, s29, $0xb8;
	[tilespmem:$0x1C400] =	vst v63  }
0x76: {  	_ =	swait.ge [sflag:s7], $0x4000  }
0x77: {  	[sflag:s7] =	ssyncset.done $0x0  }
0x78: {  	[sflag:s7] =	ssyncadd.s32 $0xFFFFC000  }
0x79: {  	[spmem:s2] =	stream.indirect.scatter.add.f32 [tilespmem:s26], [sflag:$0x3], $0x80, s29, s29, $0xb8;
	[tilespmem:$0x1C400] =	vst v63  }
0x7a: {  	_ =	swait.ge [sflag:s28], $0x4000  }
0x7b: {  	s30 =	sshrl.u32 s25, $0x3;
	[sflag:s28] =	ssyncset.done $0x0  }
0x7c: {  	s21 =	sadd.s32 s5, s30;
	[sflag:s28] =	ssyncadd.s32 $0xFFFFC000  }
0x7d: {  	[tilespmem:s3], [sflag:$0x3] =	stream.linear.gather [hbm4b:s21+s3], $0x80, $0x38;
	[tilespmem:$0x1C400] =	vst v63  }
0x7e: {  	_ =	swait.ge [sflag:s28], $0x80  }
0x7f: {  	[sflag:s28] =	ssyncset.done $0x0  }
0x80: {  	s20 =	sadd.s32 $0x20, s13;
	[sflag:s28] =	ssyncadd.s32 $0xFFFFFF80  }
0x81: {  	[tilespmem:s29], [sflag:$0x3] =	stream.linear.gather [hbm4b:s20+s3], $0x80, $0x38;
	[tilespmem:$0x1C400] =	vst v63  }
0x82: {  	_ =	swait.ge [sflag:s28], $0x80  }
0x83: {  	[sflag:s28] =	ssyncset.done $0x0  }
0x84: {  	[sflag:s28] =	ssyncadd.s32 $0xFFFFFF80  }
0x85: {  	[tilespmem:s26], [sflag:$0x1] =	stream.indirect.gather [hbm4b:s1+s29], $0x80, s3, s29, $0xb8;
	[tilespmem:$0x1C400] =	vst v63  }
0x86: {  	_ =	swait.ge [sflag:s8], $0x4000  }
0x87: {  	[sflag:s8] =	ssyncset.done $0x0  }
0x88: {  	[sflag:s8] =	ssyncadd.s32 $0xFFFFC000  }
0x89: {  	[spmem:s2] =	stream.indirect.scatter.add.f32 [tilespmem:s4], [sflag:$0x3], $0x80, s31, s29, $0xb8;
	[tilespmem:$0x1C400] =	vst v63  }
0x8a: {  	s23 =	simm.s32 $0x40;
	_ =	swait.ge [sflag:s28], $0x4000  }
0x8b: {  	s21 =	simm.s32 $0x20;
	s20 =	sadd.s32 $0x100, s25;
	[sflag:s28] =	ssyncset.done $0x0  }
.LBB2_4:
0x8c: {  	s13 =	sadd.s32 s21, s24  }
0x8d: {  	[sflag:s28] =	ssyncadd.s32 $0xFFFFC000;
	s9 =	smov.u32 s23;
	s30 =	sadd.s32 $0x20, s23  }
0x8e: {  	[tilespmem:s0], [sflag:$0x3] =	stream.linear.gather [hbm4b:s13+s3], $0x80, $0x38;
	[tilespmem:$0x1C400] =	vst v63  }
0x8f: {  	p1 =	sne.s32 s23, $0x4A0;
	_ =	swait.ge [sflag:s28], $0x80  }
0x90: {  	s13 =	sadd.s32 s21, s22;
	s21 =	smov.u32 s9;
	[sflag:s28] =	ssyncset.done $0x0  }
0x91: {  	s9 =	sadd.s32 $0x10, s13;
	[sflag:s28] =	ssyncadd.s32 $0xFFFFFF80  }
0x92: {  	[tilespmem:s31], [sflag:$0x3] =	stream.linear.gather [hbm4b:s9+s3], $0x80, $0x38;
	[tilespmem:$0x1C400] =	vst v63  }
0x93: {  	_ =	swait.ge [sflag:s28], $0x80  }
0x94: {  	[sflag:s28] =	ssyncset.done $0x0  }
0x95: {  	[sflag:s28] =	ssyncadd.s32 $0xFFFFFF80  }
0x96: {  	[tilespmem:s4], [sflag:$0x2] =	stream.indirect.gather [hbm4b:s1+s29], $0x80, s0, s29, $0xb8;
	[tilespmem:$0x1C400] =	vst v63  }
0x97: {  	_ =	swait.ge [sflag:s7], $0x4000  }
0x98: {  	[sflag:s7] =	ssyncset.done $0x0  }
0x99: {  	[sflag:s7] =	ssyncadd.s32 $0xFFFFC000  }
0x9a: {  	[spmem:s2] =	stream.indirect.scatter.add.f32 [tilespmem:s26], [sflag:$0x3], $0x80, s29, s29, $0xb8;
	[tilespmem:$0x1C400] =	vst v63  }
0x9b: {  	_ =	swait.ge [sflag:s28], $0x4000  }
0x9c: {  	s9 =	sshrl.u32 s20, $0x3;
	[sflag:s28] =	ssyncset.done $0x0  }
0x9d: {  	s9 =	sadd.s32 s5, s9;
	[sflag:s28] =	ssyncadd.s32 $0xFFFFC000  }
0x9e: {  	[tilespmem:s3], [sflag:$0x3] =	stream.linear.gather [hbm4b:s9+s3], $0x80, $0x38;
	[tilespmem:$0x1C400] =	vst v63  }
0x9f: {  	_ =	swait.ge [sflag:s28], $0x80  }
0xa0: {  	[sflag:s28] =	ssyncset.done $0x0  }
0xa1: {  	s9 =	sadd.s32 $0x20, s13;
	[sflag:s28] =	ssyncadd.s32 $0xFFFFFF80  }
0xa2: {  	[tilespmem:s29], [sflag:$0x3] =	stream.linear.gather [hbm4b:s9+s3], $0x80, $0x38;
	[tilespmem:$0x1C400] =	vst v63  }
0xa3: {  	_ =	swait.ge [sflag:s28], $0x80  }
0xa4: {  	[sflag:s28] =	ssyncset.done $0x0  }
0xa5: {  	[sflag:s28] =	ssyncadd.s32 $0xFFFFFF80  }
0xa6: {  	[tilespmem:s26], [sflag:$0x1] =	stream.indirect.gather [hbm4b:s1+s29], $0x80, s3, s29, $0xb8;
	[tilespmem:$0x1C400] =	vst v63  }
0xa7: {  	_ =	swait.ge [sflag:s8], $0x4000  }
.Ltmp1:
0xa8: {  	[sflag:s8] =	ssyncset.done $0x0;
	(pc) =	sbr.rel @p1 .LBB2_4-.Ltmp1, $4  }
0xa9: {  	[sflag:s8] =	ssyncadd.s32 $0xFFFFC000  }
0xaa: {  	[spmem:s2] =	stream.indirect.scatter.add.f32 [tilespmem:s4], [sflag:$0x3], $0x80, s31, s29, $0xb8;
	[tilespmem:$0x1C400] =	vst v63  }
0xab: {  	_ =	swait.ge [sflag:s28], $0x4000  }
0xac: {  	s23 =	smov.u32 s30;
	s20 =	sadd.s32 $0x100, s20;
	[sflag:s28] =	ssyncset.done $0x0  }
0xad: {  	s9 =	sadd.s32 s21, s24;
	[sflag:s28] =	ssyncadd.s32 $0xFFFFC000  }
0xae: {  	[tilespmem:s0], [sflag:$0x3] =	stream.linear.gather [hbm4b:s9+s3], $0x80, $0x38;
	[tilespmem:$0x1C400] =	vst v63  }
0xaf: {  	_ =	swait.ge [sflag:s28], $0x80  }
0xb0: {  	s21 =	sadd.s32 s21, s22;
	[sflag:s28] =	ssyncset.done $0x0  }
0xb1: {  	s13 =	sadd.s32 $0x10, s21;
	[sflag:s28] =	ssyncadd.s32 $0xFFFFFF80  }
0xb2: {  	[tilespmem:s31], [sflag:$0x3] =	stream.linear.gather [hbm4b:s13+s3], $0x80, $0x38;
	[tilespmem:$0x1C400] =	vst v63  }
0xb3: {  	_ =	swait.ge [sflag:s28], $0x80  }
0xb4: {  	[sflag:s28] =	ssyncset.done $0x0  }
0xb5: {  	[sflag:s28] =	ssyncadd.s32 $0xFFFFFF80  }
0xb6: {  	[tilespmem:s4], [sflag:$0x2] =	stream.indirect.gather [hbm4b:s1+s29], $0x80, s0, s29, $0xb8;
	[tilespmem:$0x1C400] =	vst v63  }
0xb7: {  	_ =	swait.ge [sflag:s7], $0x4000  }
0xb8: {  	[sflag:s7] =	ssyncset.done $0x0  }
0xb9: {  	[sflag:s7] =	ssyncadd.s32 $0xFFFFC000  }
0xba: {  	[spmem:s2] =	stream.indirect.scatter.add.f32 [tilespmem:s26], [sflag:$0x3], $0x80, s29, s29, $0xb8;
	[tilespmem:$0x1C400] =	vst v63  }
0xbb: {  	_ =	swait.ge [sflag:s28], $0x4000  }
0xbc: {  	s23 =	sshrl.u32 s20, $0x3;
	[sflag:s28] =	ssyncset.done $0x0  }
0xbd: {  	s13 =	sadd.s32 s5, s23;
	[sflag:s28] =	ssyncadd.s32 $0xFFFFC000  }
0xbe: {  	[tilespmem:s3], [sflag:$0x3] =	stream.linear.gather [hbm4b:s13+s3], $0x80, $0x38;
	[tilespmem:$0x1C400] =	vst v63  }
0xbf: {  	_ =	swait.ge [sflag:s28], $0x80  }
0xc0: {  	[sflag:s28] =	ssyncset.done $0x0  }
0xc1: {  	s9 =	sadd.s32 $0x20, s21;
	[sflag:s28] =	ssyncadd.s32 $0xFFFFFF80  }
0xc2: {  	[tilespmem:s29], [sflag:$0x3] =	stream.linear.gather [hbm4b:s9+s3], $0x80, $0x38;
	[tilespmem:$0x1C400] =	vst v63  }
0xc3: {  	_ =	swait.ge [sflag:s28], $0x80  }
0xc4: {  	[sflag:s28] =	ssyncset.done $0x0  }
0xc5: {  	[sflag:s28] =	ssyncadd.s32 $0xFFFFFF80  }
0xc6: {  	[tilespmem:s26], [sflag:$0x1] =	stream.indirect.gather [hbm4b:s1+s29], $0x80, s3, s29, $0xb8;
	[tilespmem:$0x1C400] =	vst v63  }
0xc7: {  	_ =	swait.ge [sflag:s8], $0x4000  }
0xc8: {  	[sflag:s8] =	ssyncset.done $0x0  }
0xc9: {  	[sflag:s8] =	ssyncadd.s32 $0xFFFFC000  }
0xca: {  	[spmem:s2] =	stream.indirect.scatter.add.f32 [tilespmem:s4], [sflag:$0x3], $0x80, s31, s29, $0xb8;
	[tilespmem:$0x1C400] =	vst v63  }
0xcb: {  	_ =	swait.ge [sflag:s28], $0x4000  }
0xcc: {  	[sflag:s28] =	ssyncset.done $0x0  }
0xcd: {  	s30 =	rddreg [dreg:$0x10];
	[sflag:s28] =	ssyncadd.s32 $0xFFFFC000  }
0xce: {  	[tilespmem:s0], [sflag:$0x3] =	stream.linear.gather [hbm4b:s30+s3], $0x80, $0x38;
	[tilespmem:$0x1C400] =	vst v63  }
0xcf: {  	_ =	swait.ge [sflag:s28], $0x80  }
0xd0: {  	[sflag:s28] =	ssyncset.done $0x0  }
0xd1: {  	s13 =	rddreg [dreg:$0x11];
	[sflag:s28] =	ssyncadd.s32 $0xFFFFFF80  }
0xd2: {  	[tilespmem:s31], [sflag:$0x3] =	stream.linear.gather [hbm4b:s13+s3], $0x80, $0x38;
	[tilespmem:$0x1C400] =	vst v63  }
0xd3: {  	_ =	swait.ge [sflag:s28], $0x80  }
0xd4: {  	[sflag:s28] =	ssyncset.done $0x0  }
0xd5: {  	[sflag:s28] =	ssyncadd.s32 $0xFFFFFF80  }
0xd6: {  	[tilespmem:s4], [sflag:$0x2] =	stream.indirect.gather [hbm4b:s1+s29], $0x80, s0, s29, $0xb8;
	[tilespmem:$0x1C400] =	vst v63  }
0xd7: {  	_ =	swait.ge [sflag:s7], $0x4000  }
0xd8: {  	[sflag:s7] =	ssyncset.done $0x0  }
0xd9: {  	[sflag:s7] =	ssyncadd.s32 $0xFFFFC000  }
0xda: {  	[spmem:s2] =	stream.indirect.scatter.add.f32 [tilespmem:s26], [sflag:$0x3], $0x80, s29, s29, $0xb8;
	[tilespmem:$0x1C400] =	vst v63  }
0xdb: {  	_ =	swait.ge [sflag:s28], $0x4000  }
0xdc: {  	[sflag:s28] =	ssyncset.done $0x0  }
0xdd: {  	[sflag:s28] =	ssyncadd.s32 $0xFFFFC000  }
0xde: {  	_ =	swait.ge [sflag:s8], $0x4000  }
0xdf: {  	[sflag:s8] =	ssyncset.done $0x0  }
0xe0: {  	[sflag:s8] =	ssyncadd.s32 $0xFFFFC000  }
0xe1: {  	[spmem:s2] =	stream.indirect.scatter.add.f32 [tilespmem:s4], [sflag:$0x3], $0x80, s31, s29, $0xb8;
	[tilespmem:$0x1C400] =	vst v63  }
0xe2: {  	_ =	swait.ge [sflag:s28], $0x4000  }
0xe3: {  	[sflag:s28] =	ssyncset.done $0x0  }
0xe4: {  	s21 =	simm.s32 $0x200;
	s20 =	rddreg [dreg:$0xb];
	[sflag:s28] =	ssyncadd.s32 $0xFFFFC000  }
0xe5: {  	[tilespmem:s21], [sflag:$0x3] =	stream.linear.gather [hbm4b:s20+s3], $0x10, $0x38;
	[tilespmem:$0x1C400] =	vst v63  }
0xe6: {  	_ =	swait.ge [sflag:s28], $0x10  }
0xe7: {  	[sflag:s28] =	ssyncset.done $0x0  }
0xe8: {  	s23 =	rddreg [dreg:$0xc];
	[sflag:s28] =	ssyncadd.s32 $0xFFFFFFF0  }
0xe9: {  	[tilespmem:s11], [sflag:$0x3] =	stream.linear.gather [hbm4b:s23+s3], $0x10, $0x38;
	[tilespmem:$0x1C400] =	vst v63  }
0xea: {  	_ =	swait.ge [sflag:s28], $0x10  }
0xeb: {  	[sflag:s28] =	ssyncset.done $0x0  }
0xec: {  	[sflag:s28] =	ssyncadd.s32 $0xFFFFFFF0  }
0xed: {  	[tilespmem:s15], [sflag:$0x1] =	stream.indirect.gather [hbm4b:s1+s12], $0x80, s21, s12, $0xb8;
	[tilespmem:$0x1C400] =	vst v63  }
0xee: {  	_ =	swait.ge [sflag:s7], $0x800  }
0xef: {  	[sflag:s7] =	ssyncset.done $0x0  }
0xf0: {  	[sflag:s7] =	ssyncadd.s32 $0xFFFFF800  }
0xf1: {  	[spmem:s2] =	stream.indirect.scatter.add.f32 [tilespmem:s15], [sflag:$0x3], $0x80, s11, s12, $0xb8;
	[tilespmem:$0x1C400] =	vst v63  }
0xf2: {  	_ =	swait.ge [sflag:s28], $0x800  }
0xf3: {  	[sflag:s28] =	ssyncset.done $0x0  }
0xf4: {  	[sflag:s28] =	ssyncadd.s32 $0xFFFFF800  }
0xf5: {  	[bflag:$0x0] =	sbarrier.arrive $0xFFFF  }
0xf6: {  	s9 =	simm.s32 @p0 $0x1FC3;
	s13 =	rddreg [dreg:$0xe]  }
0xf7: {  	[hbm:s13], [sflag:s9] =	dma.local @p0 [spmem:s17], $0x2800  }
0xf8: {  	s9 =	simm.s32 @p0 $0x3  }
0xf9: {  	_ =	swait.ge @p0 [sflag:s9], $0x2800  }
0xfa: {  	[sflag:s9] =	ssyncset.done @p0 $0x0  }
0xfb: {  	[sflag:s9] =	ssyncadd.s32 @p0 $0xFFFFD800;
	s9 =	rddreg [dreg:$0xd]  }
0xfc: {  	[hbm:s9], [sflag:s18] =	dma.local @!p0 [spmem:s19], $0x2700  }
0xfd: {  	s9 =	simm.s32 @!p0 $0x3  }
0xfe: {  	_ =	swait.ge @!p0 [sflag:s9], $0x2700  }
0xff: {  	s16 =	sadd.s32 $0x1, s16;
	s30 =	rddreg [dreg:$0xf]  }
0x100: {  	p1 =	sne.s32 s16, s30  }
.Ltmp2:
0x101: {  	_ = 	snop;
	(pc) =	sbr.rel @p1 .LBB2_1-.Ltmp2, $3  }
0x102: {  	_ =	sdelay $0x1  }
0x103: {  	[sflag:s9] =	ssyncset.done @!p0 $0x0  }
0x104: {  	[sflag:s9] =	ssyncadd.s32 @!p0 $0xFFFFD900  }
0x105: {  	_ =	sfence.sel $0x180000  }
0x106: {  	[bflag:$0x0] =	sbarrier.arrive $0xFFFF  }
0x107: {  	_ =	strace $0x90000047  }
0x108: {  	s0 =	stileid.u32;
	[bflag:$0x2] =	sbarrier.arrive $0xFFFF  }
0x109: {  	p0 =	sne.s32 s0, $0x0;
	s0 =	rddreg [dreg:$0x3]  }
0x10a: {  	s0 =	sadd.s32 @!p0 $0x100000, s0  }
0x10b: {  	[sflag:s0] =	ssyncadd.tile.s32 @!p0 $0x1;
	_ =	shalt  }
.Lfunc_end2:
_tile_overlayer_lowered:
.L_overlay_start_2:
0x10c: {  	(tag) =	ssettag $0x2  }
0x10d: {  	s0 =	rddreg [dreg:$0x0];
	s2 =	stileid.u32  }
0x10e: {  	s1 =	rddreg [dreg:$0x1];
	p0 =	sne.s32 s2, $0x0  }
0x10f: {  	s3 =	rddreg [dreg:$0x2];
	[bflag:$0x3] =	sbarrier.arrive $0xFFFF;
	s2 =	simm.s32 @!p0 $0x1C03  }
0x110: {  	[timem:s3], [sflag:s2] =	dma.local @!p0 [hbm:s0], s1  }
0x111: {  	s0 =	simm.s32 @!p0 $0x3  }
0x112: {  	_ =	swait.ge @!p0 [sflag:s0], s1  }
0x113: {  	s1 =	ssub.s32 @!p0 $0x0, s1;
	[sflag:s0] =	ssyncset.done @!p0 $0x0  }
0x114: {  	[sflag:s0] =	ssyncadd.s32 @!p0 s1  }
0x115: {  	[bflag:$0x3] =	sbarrier.arrive $0xFFFF  }
0x116: {  	_ =	shalt  }

// kernel: kernel.9.cloned.1.call-start
scs
__scs_entry_jumppad:
0x0: {  	(pc) =	sbr.rel $0x88, $3  }
0x1: {  	(tag) =	ssettag $0x0;
	lr =	simm.s32 $0x1  }
0x2: {  	[smem:$0x3F97] =	sst lr;
	_ =	strace $0xD0000000  }
0x3: {  	_ = 	snop  }
0x4: {  	_ = 	snop  }
0x5: {  	_ = 	snop  }
0x6: {  	_ = 	snop  }
0x7: {  	_ = 	snop  }
__scs_overlays_trampoline_lowered:
0x8: {  	[smem:$0x3FA6] =	sst s0  }
0x9: {  	[smem:$0x3FA7] =	sst s1  }
0xa: {  	[smem:$0x3FA8] =	sst s2  }
0xb: {  	[smem:$0x3FA9] =	sst s3  }
0xc: {  	[smem:$0x3FAA] =	sst s4  }
0xd: {  	[smem:$0x3FAB] =	sst s5  }
0xe: {  	[smem:$0x3FAC] =	sst s6  }
0xf: {  	[smem:$0x3FAD] =	sst s7  }
0x10: {  	[smem:$0x3FAE] =	sst s8  }
0x11: {  	[smem:$0x3FAF] =	sst s9;
	s0 =	simm.s32 @!p0 $0x0  }
0x12: {  	s1 =	sld [smem:$0x3F95];
	s0 =	simm.s32 @p0 $0x1  }
0x13: {  	[smem:$0x3FB0] =	sst s0;
	s0 =	simm.s32 @!p1 $0x0  }
0x14: {  	s2 =	sld [smem:$0x3F94];
	s0 =	simm.s32 @p1 $0x1  }
0x15: {  	[smem:$0x3FB1] =	sst s0;
	s0 =	simm.s32 @!p2 $0x0  }
0x16: {  	s3 =	sld [smem:$0x3FDB];
	s0 =	simm.s32 @p2 $0x1  }
0x17: {  	s4 =	simm.s32 $0x1BF5;
	[smem:$0x3FB3] =	sst s0  }
0x18: {  	s0 =	sld [smem:$0x3F96];
	_ =	swait.ge [sflag:s4], $0x0  }
0x19: {  	s7 =	sld [smem:$0x3F97]  }
0x1a: {  	s8 =	sadd.s32 $0xFFFFE003, lr  }
0x1b: {  	s9 =	sadd.s32 $0xFFFFFEF7, lr;
	s5 =	simm.s32 $0xFFFFFFFF;
	p2 =	slt.u32 s8, $0xFFFFF086  }
0x1c: {  	p1 =	slt.u32 s9, $0xF7A;
	s5 =	simm.s32 @!p2 $0x0  }
0x1d: {  	s5 =	simm.s32 @p1 $0x1;
	p0 =	seq.s32 s7, s2  }
0x1e: {  	s7 =	smul.u32 @!p0 $0xF7A, s2;
	p2 =	seq.s32 @!p0 s5, $0x0  }
0x1f: {  	s9 =	smul.u32 $0xF7A, s1;
	s8 =	simm.s32 @!p0 $0x1BF5;
	p2 =	por !p2, p0  }
0x20: {  	[sflag:s8] =	ssyncset.s32 @!p0 $0xFFFFF086;
	s6 =	sadd.s32 @!p0 s3, s7;
	s7 =	simm.s32 @!p0 $0x108  }
0x21: {  	s3 =	sadd.s32 s3, s9;
	s6 =	sadd.s32 @!p0 $0x88, s6;
	s7 =	simm.s32 @p2 $0x1082  }
0x22: {  	[simem:s7], [sflag:s8] =	dma.local @!p0 [hbm:s6], $0xF7A  }
0x23: {  	s9 =	sor.u32 $0xD0000000, s2;
	s6 =	simm.s32 $0x108;
	_ =	swait.ge @!p0 [sflag:s8], $0x0  }
0x24: {  	s3 =	sadd.s32 $0x88, s3;
	s6 =	simm.s32 @!p1 $0x1082;
	[sflag:s4] =	ssyncset.s32 $0xFFFFF086  }
0x25: {  	[simem:s6], [sflag:s4] =	dma.local [hbm:s3], $0xF7A  }
0x26: {  	[smem:$0x3F97] =	sst s1;
	(tag) =	ssettag s2;
	_ =	strace s9  }
0x27: {  	s1 =	sld [smem:$0x3FA7]  }
0x28: {  	s2 =	sld [smem:$0x3FA8]  }
0x29: {  	s4 =	sld [smem:$0x3FAA]  }
0x2a: {  	p0 =	seq.s32 s5, $0x0;
	s5 =	sld [smem:$0x3FAB]  }
0x2b: {  	s6 =	sld [smem:$0x3FAC]  }
0x2c: {  	s7 =	sld [smem:$0x3FAD]  }
0x2d: {  	s3 =	simm.s32 $0x108;
	s8 =	sld [smem:$0x3FAE]  }
0x2e: {  	s3 =	simm.s32 @!p0 $0x1082;
	s9 =	sld [smem:$0x3FAF]  }
0x2f: {  	lr =	sadd.s32 s0, s3;
	s0 =	sld [smem:$0x3FA6]  }
0x30: {  	s3 =	sld [smem:$0x3FA9]  }
0x31: {  	[smem:$0x3FB2] =	sst s10  }
0x32: {  	s10 =	sld [smem:$0x3FB0];
	_ =	sdelay $0x3  }
0x33: {  	p0 =	seq.s32 s10, $0x1;
	s10 =	sld [smem:$0x3FB2];
	_ =	sdelay $0x3  }
0x34: {  	[smem:$0x3FB2] =	sst s10  }
0x35: {  	s10 =	sld [smem:$0x3FB1];
	_ =	sdelay $0x3  }
0x36: {  	p1 =	seq.s32 s10, $0x1;
	s10 =	sld [smem:$0x3FB2];
	_ =	sdelay $0x3  }
0x37: {  	[smem:$0x3FB2] =	sst s10  }
0x38: {  	s10 =	sld [smem:$0x3FB3]  }
0x39: {  	_ = 	snop;
	(pc) =	sbr.ind lr, $3  }
0x3a: {  	_ = 	snop  }
0x3b: {  	_ = 	snop  }
0x3c: {  	p2 =	seq.s32 s10, $0x1;
	s10 =	sld [smem:$0x3FB2]  }
0x3d: {  	_ =	shalt  }
0x3e: {  	_ =	shalt  }
0x3f: {  	_ =	shalt  }
0x40: {  	_ =	shalt  }
0x41: {  	_ =	shalt  }
0x42: {  	_ =	shalt  }
0x43: {  	_ =	shalt  }
0x44: {  	_ =	shalt  }
0x45: {  	_ =	shalt  }
0x46: {  	_ =	shalt  }
0x47: {  	_ =	shalt  }
0x48: {  	_ =	shalt  }
0x49: {  	_ =	shalt  }
0x4a: {  	_ =	shalt  }
0x4b: {  	_ =	shalt  }
0x4c: {  	_ =	shalt  }
0x4d: {  	_ =	shalt  }
0x4e: {  	_ =	shalt  }
0x4f: {  	_ =	shalt  }
0x50: {  	_ =	shalt  }
0x51: {  	_ =	shalt  }
0x52: {  	_ =	shalt  }
0x53: {  	_ =	shalt  }
0x54: {  	_ =	shalt  }
0x55: {  	_ =	shalt  }
0x56: {  	_ =	shalt  }
0x57: {  	_ =	shalt  }
0x58: {  	_ =	shalt  }
0x59: {  	_ =	shalt  }
0x5a: {  	_ =	shalt  }
0x5b: {  	_ =	shalt  }
0x5c: {  	_ =	shalt  }
0x5d: {  	_ =	shalt  }
0x5e: {  	_ =	shalt  }
0x5f: {  	_ =	shalt  }
0x60: {  	_ =	shalt  }
0x61: {  	_ =	shalt  }
0x62: {  	_ =	shalt  }
0x63: {  	_ =	shalt  }
0x64: {  	_ =	shalt  }
0x65: {  	_ =	shalt  }
0x66: {  	_ =	shalt  }
0x67: {  	_ =	shalt  }
0x68: {  	_ =	shalt  }
0x69: {  	_ =	shalt  }
0x6a: {  	_ =	shalt  }
0x6b: {  	_ =	shalt  }
0x6c: {  	_ =	shalt  }
0x6d: {  	_ =	shalt  }
0x6e: {  	_ =	shalt  }
0x6f: {  	_ =	shalt  }
0x70: {  	_ =	shalt  }
0x71: {  	_ =	shalt  }
0x72: {  	_ =	shalt  }
0x73: {  	_ =	shalt  }
0x74: {  	_ =	shalt  }
0x75: {  	_ =	shalt  }
0x76: {  	_ =	shalt  }
0x77: {  	_ =	shalt  }
0x78: {  	_ =	shalt  }
0x79: {  	_ =	shalt  }
0x7a: {  	_ =	shalt  }
0x7b: {  	_ =	shalt  }
0x7c: {  	_ =	shalt  }
0x7d: {  	_ =	shalt  }
0x7e: {  	_ =	shalt  }
0x7f: {  	_ =	shalt  }
0x80: {  	_ =	shalt  }
0x81: {  	_ =	shalt  }
0x82: {  	_ =	shalt  }
0x83: {  	_ =	shalt  }
0x84: {  	_ =	shalt  }
0x85: {  	_ =	shalt  }
0x86: {  	_ =	shalt  }
0x87: {  	_ =	shalt  }
.Lfunc_end0:
.L_simem_size_0:
called_computation.1_lowered:
.L_overlay_start_0:
0x88: {  	s2 =	sld [smem:$0x3FD9]  }
0x89: {  	s3 =	sld [smem:$0x3FFE];
	_ =	sdelay $0x1  }
0x8a: {  	s1 =	srdreg.scid  }
0x8b: {  	s0 =	sand.u32 $0x1, s1  }
0x8c: {  	s17 =	sshll.u32 s0, $0xA;
	s2 =	sadd.s32 s3, s2  }
0x8d: {  	s2 =	sadd.s32 s2, s17  }
0x8e: {  	[smem:$0x3FBE] =	sst s2  }
0x8f: {  	_ = 	snop  }
0x90: {  	s2 =	sld [smem:$0x3FD0];
	(tm) =	ssettm $0x1  }
0x91: {  	s18 =	sld [smem:$0x3FFB];
	_ =	sdelay $0x3  }
0x92: {  	_ =	strace s18  }
0x93: {  	s3 =	sld [smem:$0x3FFC];
	_ =	sdelay $0x3  }
0x94: {  	_ =	strace s3  }
0x95: {  	s3 =	sld [smem:$0x3FFD];
	_ =	sdelay $0x3  }
0x96: {  	_ =	strace s3  }
0x97: {  	_ =	strace $0x8FFFFFFF  }
0x98: {  	s19 =	sld [smem:$0x3FDB];
	_ =	sdelay $0x1  }
0x99: {  	s4 =	simm.s32 $_scs_section_size  }
0x9a: {  	s5 =	simm.s32 $_size__tile_overlayer_lowered;
	s6 =	simm.s32 $_tile_overlayer_lowered  }
0x9b: {  	s22 =	simm.s32 $0x1BFF;
	s21 =	sshll.u32 s6, $0x1;
	s3 =	sadd.s32 s4, s19  }
0x9c: {  	s7 =	simm.s32 $0x0;
	s20 =	sshll.u32 s5, $0x1;
	s5 =	sadd.s32 s21, s3  }
0x9d: {  	[timem:s7], [sflag:s22] =	dma.local [hbm:s5], s20  }
0x9e: {  	_ =	swait.ge [sflag:s22], s20  }
0x9f: {  	s4 =	ssub.s32 $0x0, s20;
	[sflag:s22] =	ssyncset.done $0x0  }
0xa0: {  	[sflag:s22] =	ssyncadd.s32 s4;
	_ =	sdelay $0x1  }
0xa1: {  	s23 =	simm.s32 $0x1B8B  }
0xa2: {  	_ =	swait.ge [sflag:s23], $0x1  }
0xa3: {  	[sflag:s23] =	ssyncset.done $0x0  }
0xa4: {  	s25 =	simm.s32 $0x1B8E;
	s24 =	sld [smem:$0x3FFE];
	[sflag:s23] =	ssyncadd.s32 $0xFFFFFFFF  }
0xa5: {  	s26 =	simm.s32 $execute0_lowered;
	[smem:$0x3FD2] =	sst s25  }
0xa6: {  	s5 =	sshll.u32 s26, $0x1;
	_ =	strace $0x80000049;
	[dreg:$0x1] =	wrdreg $0xFFFFFFFF  }
0xa7: {  	s28 =	simm.s32 $_size_execute0_lowered;
	s3 =	sadd.s32 s3, s5;
	[dreg:$0x0] =	wrdreg $0x0  }
0xa8: {  	s5 =	sshll.u32 s28, $0x1;
	[dreg:$0x2] =	wrdreg s3  }
0xa9: {  	[dreg:$0x3] =	wrdreg s5  }
0xaa: {  	[dreg:$0x4] =	wrdreg $0xC0  }
0xab: {  	_ =	task [dreg:s7], $0x5FFFF  }
0xac: {  	[dreg:$0x1] =	wrdreg $0xFFFFFFFF  }
0xad: {  	[dreg:$0x0] =	wrdreg $0x60  }
0xae: {  	[dreg:$0x2] =	wrdreg s24  }
0xaf: {  	[dreg:$0x3] =	wrdreg s2  }
0xb0: {  	[dreg:$0x4] =	wrdreg $0x8B000  }
0xb1: {  	[dreg:$0x5] =	wrdreg $0x9  }
0xb2: {  	_ =	task.clear_ibuf [dreg:s7], $0x6FFFF;
	_ =	strace $0x90000049  }
0xb3: {  	s29 =	simm.s32 $0x9;
	_ =	strace $0x8000004B  }
0xb4: {  	_ =	swait.ge [sflag:s29], $0x1  }
0xb5: {  	[sflag:s29] =	ssyncadd.s32 $0xFFFFFFFF  }
0xb6: {  	_ =	strace $0x9000004B  }
0xb7: {  	_ =	sfence  }
0xb8: {  	s30 =	sld [smem:$0x0];
	_ =	sdelay $0x2  }
0xb9: {  	s31 =	sshll.u32 s1, $0xD;
	s1 =	sshrl.u32 s1, $0x2  }
0xba: {  	s3 =	sand.u32 $0x4000, s31;
	s1 =	sadd.s32 s1, s30  }
0xbb: {  	s0 =	sor.u32 s3, s0;
	s1 =	sshll.u32 s1, $0x11  }
0xbc: {  	s0 =	sor.u32 s1, s0  }
0xbd: {  	s0 =	sadd.s32 $0x8F2B, s0  }
0xbe: {  	[sflag:s0] =	ssyncadd.remote.s32 $0x1  }
0xbf: {  	_ =	sfence.sel $0xFFFF  }
0xc0: {  	[dreg:$0x0] =	wrdreg $0xFFFFFFFF;
	(pc) =	sbr.abs _section_cstart, $3  }
0xc1: {  	[dreg:$0x1] =	wrdreg $0xFFFFFFFF  }
0xc2: {  	_ =	task.clear_ibuf [dreg:s7], $0x2FFFF;
	_ =	strace $0x9FFFFFFF  }
0xc3: {  	(tm) =	ssettm $0x7FFFFFFF  }
tec
execute0_lowered:
.L_overlay_start_1:
0x0: {  	(tag) =	ssettag $0x1  }
0x1: {  	s0 =	rddreg [dreg:$0x0]  }
0x2: {  	s2 =	rddreg [dreg:$0x1]  }
0x3: {  	s1 =	rddreg [dreg:$0x2];
	s3 =	simm.s32 $0x0;
	s5 =	srdreg.scid  }
0x4: {  	s15 =	stileid.u32;
	s28 =	simm.s32 $0x4300;
	s29 =	simm.s32 $0x1  }
0x5: {  	s30 =	simm.s32 $0x2;
	s31 =	simm.s32 $0x200;
	s8 =	smul.u32 $0x4E000, s15  }
0x6: {  	[smem:$0x7FF] =	sst s3;
	s4 =	sadd.s32 $0x14400, s0;
	s13 =	smul.u32 $0x2710, s15  }
0x7: {  	s7 =	sand.u32 $0x1, s5;
	s5 =	sadd.s32 $0x7600, s0;
	s14 =	smul.u32 $0x2700, s15  }
0x8: {  	s11 =	sadd.s32 $0x2600, s0;
	s6 =	sadd.s32 $0x11C00, s0;
	s22 =	smul.u32 $0x4E2, s15  }
0x9: {  	p0 =	seq.s32 s15, $0xF;
	s9 =	ssub.s32 $0x2, s7;
	s10 =	smul.u32 $0x27100, s7  }
0xa: {  	_ =	strace $0x8000004A;
	s7 =	smul.u32 $0x138800, s7;
	s12 =	sshrl.u32 s9, $0x1  }
0xb: {  	s8 =	sshrl.u32 s8, $0x2;
	s20 =	sshrl.u32 s13, $0x3;
	s17 =	sadd.s32 s22, s11  }
0xc: {  	s22 =	simm.s32 $0x3;
	s18 =	ssub.s32 s9, s12;
	s8 =	sadd.s32 s8, s1  }
0xd: {  	s12 =	sadd.s32 s13, s10;
	s13 =	sadd.s32 $0x124800, s1;
	s9 =	sadd.s32 s11, s20  }
0xe: {  	s10 =	sadd.s32 s14, s10;
	s7 =	sshrl.u32 s7, $0x3;
	[dreg:$0x4] =	wrdreg s8  }
0xf: {  	s19 =	sshrl.u32 s12, $0x3;
	s21 =	sadd.s32 $0x4E0, s9;
	s10 =	sadd.s32 s2, s10  }
0x10: {  	s2 =	sadd.s32 s2, s7;
	s0 =	smax.u32 s18, $0x1;
	[dreg:$0x7] =	wrdreg s21  }
0x11: {  	s24 =	sadd.s32 $0x4D0, s9;
	s25 =	sadd.s32 $0x80, s12;
	[dreg:$0x8] =	wrdreg s10  }
0x12: {  	s20 =	sshrl.u32 @p0 s13, $0x3;
	s7 =	simm.s32 $0x8300;
	[dreg:$0xa] =	wrdreg s0  }
0x13: {  	s8 =	sadd.s32 s5, s19;
	s2 =	sadd.s32 $0x24900, s2;
	[dreg:$0xc] =	wrdreg s24  }
0x14: {  	s26 =	sshrl.u32 s25, $0x3;
	s19 =	sadd.s32 $0x100, s12;
	s0 =	sshll.u32 @!p0 s15, $0x6  }
0x15: {  	s24 =	simm.s32 $0x300;
	s25 =	simm.s32 $0x100;
	[dreg:$0x9] =	wrdreg s2  }
0x16: {  	s10 =	simm.s32 $0x0;
	s16 =	sadd.s32 $0x4E0, s8;
	[dreg:$0x5] =	wrdreg s8  }
0x17: {  	s23 =	sadd.s32 $0x4D0, s8;
	s18 =	sadd.s32 s26, s5;
	s21 =	sor.u32 @!p0 $0x1C03, s0  }
0x18: {  	s26 =	simm.s32 $0x180;
	s0 =	simm.s32 $0x280;
	[dreg:$0x6] =	wrdreg s16  }
0x19: {  	s2 =	simm.s32 $0x10;
	[dreg:$0xb] =	wrdreg s23;
	s23 =	simm.s32 $0x80  }
.LBB2_1:
0x1a: {  	s11 =	simm.s32 @p0 $0x1FC3  }
0x1b: {  	[spmem:s20], [sflag:s11] =	dma.local @p0 [hbm:s6], $0x2800  }
0x1c: {  	s11 =	simm.s32 @p0 $0x3  }
0x1d: {  	_ =	swait.ge @p0 [sflag:s11], $0x2800  }
0x1e: {  	[sflag:s11] =	ssyncset.done @p0 $0x0;
	s8 =	rddreg [dreg:$0x4]  }
0x1f: {  	s12 =	simm.s32 @!p0 $0x3;
	[sflag:s11] =	ssyncadd.s32 @p0 $0xFFFFD800;
	s11 =	sshrl.u32 @!p0 s8, $0x3  }
0x20: {  	[spmem:s11], [sflag:s21] =	dma.local @!p0 [hbm:s6], $0x2700  }
0x21: {  	_ =	swait.ge @!p0 [sflag:s12], $0x2700  }
0x22: {  	[sflag:s12] =	ssyncset.done @!p0 $0x0  }
0x23: {  	[sflag:s12] =	ssyncadd.s32 @!p0 $0xFFFFD900  }
0x24: {  	[bflag:$0x0] =	sbarrier.arrive $0xFFFF  }
0x25: {  	s13 =	rddreg [dreg:$0x5]  }
0x26: {  	[tilespmem:s3], [sflag:$0x3] =	stream.linear.gather [hbm4b:s13+s3], $0x80, $0x38;
	[tilespmem:$0x1C380] =	vst v63  }
0x27: {  	_ =	swait.ge [sflag:s22], $0x80  }
0x28: {  	[sflag:s22] =	ssyncset.done $0x0  }
0x29: {  	[sflag:s22] =	ssyncadd.s32 $0xFFFFFF80  }
0x2a: {  	[tilespmem:s23], [sflag:$0x3] =	stream.linear.gather [hbm4b:s9+s3], $0x80, $0x38;
	[tilespmem:$0x1C380] =	vst v63  }
0x2b: {  	_ =	swait.ge [sflag:s22], $0x80  }
0x2c: {  	[sflag:s22] =	ssyncset.done $0x0  }
0x2d: {  	[sflag:s22] =	ssyncadd.s32 $0xFFFFFF80  }
0x2e: {  	[tilespmem:s24], [sflag:$0x1] =	stream.indirect.gather [hbm4b:s4+s23], $0x80, s3, s23, $0xb8;
	[tilespmem:$0x1C380] =	vst v63  }
0x2f: {  	s14 =	sadd.s32 $0x0, s18  }
0x30: {  	[tilespmem:s25], [sflag:$0x3] =	stream.linear.gather [hbm4b:s14+s3], $0x80, $0x38;
	[tilespmem:$0x1C380] =	vst v63  }
0x31: {  	_ =	swait.ge [sflag:s22], $0x80  }
0x32: {  	s15 =	sadd.s32 $0x0, s17;
	[sflag:s22] =	ssyncset.done $0x0  }
0x33: {  	s13 =	sadd.s32 $0x10, s15;
	[sflag:s22] =	ssyncadd.s32 $0xFFFFFF80  }
0x34: {  	[tilespmem:s26], [sflag:$0x3] =	stream.linear.gather [hbm4b:s13+s3], $0x80, $0x38;
	[tilespmem:$0x1C380] =	vst v63  }
0x35: {  	_ =	swait.ge [sflag:s22], $0x80  }
0x36: {  	[sflag:s22] =	ssyncset.done $0x0  }
0x37: {  	[sflag:s22] =	ssyncadd.s32 $0xFFFFFF80  }
0x38: {  	[tilespmem:s28], [sflag:$0x2] =	stream.indirect.gather [hbm4b:s4+s23], $0x80, s25, s23, $0xb8;
	[tilespmem:$0x1C380] =	vst v63  }
0x39: {  	_ =	swait.ge [sflag:s29], $0x4000  }
0x3a: {  	[sflag:s29] =	ssyncset.done $0x0  }
0x3b: {  	[sflag:s29] =	ssyncadd.s32 $0xFFFFC000  }
0x3c: {  	[spmem:s1] =	stream.indirect.scatter.add.f32 [tilespmem:s24], [sflag:$0x3], $0x80, s23, s23, $0xb8;
	[tilespmem:$0x1C380] =	vst v63  }
0x3d: {  	_ =	swait.ge [sflag:s22], $0x4000  }
0x3e: {  	s16 =	sshrl.u32 s19, $0x3;
	[sflag:s22] =	ssyncset.done $0x0  }
0x3f: {  	s13 =	sadd.s32 s5, s16;
	[sflag:s22] =	ssyncadd.s32 $0xFFFFC000  }
0x40: {  	[tilespmem:s3], [sflag:$0x3] =	stream.linear.gather [hbm4b:s13+s3], $0x80, $0x38;
	[tilespmem:$0x1C380] =	vst v63  }
0x41: {  	_ =	swait.ge [sflag:s22], $0x80  }
0x42: {  	[sflag:s22] =	ssyncset.done $0x0  }
0x43: {  	s12 =	sadd.s32 $0x20, s15;
	[sflag:s22] =	ssyncadd.s32 $0xFFFFFF80  }
0x44: {  	[tilespmem:s23], [sflag:$0x3] =	stream.linear.gather [hbm4b:s12+s3], $0x80, $0x38;
	[tilespmem:$0x1C380] =	vst v63  }
0x45: {  	_ =	swait.ge [sflag:s22], $0x80  }
0x46: {  	[sflag:s22] =	ssyncset.done $0x0  }
0x47: {  	[sflag:s22] =	ssyncadd.s32 $0xFFFFFF80  }
0x48: {  	[tilespmem:s24], [sflag:$0x1] =	stream.indirect.gather [hbm4b:s4+s23], $0x80, s3, s23, $0xb8;
	[tilespmem:$0x1C380] =	vst v63  }
0x49: {  	_ =	swait.ge [sflag:s30], $0x4000  }
0x4a: {  	[sflag:s30] =	ssyncset.done $0x0  }
0x4b: {  	[sflag:s30] =	ssyncadd.s32 $0xFFFFC000  }
0x4c: {  	[spmem:s1] =	stream.indirect.scatter.add.f32 [tilespmem:s28], [sflag:$0x3], $0x80, s26, s23, $0xb8;
	[tilespmem:$0x1C380] =	vst v63  }
0x4d: {  	s14 =	simm.s32 $0x40;
	_ =	swait.ge [sflag:s22], $0x4000  }
0x4e: {  	s13 =	simm.s32 $0x20;
	s12 =	sadd.s32 $0x100, s19;
	[sflag:s22] =	ssyncset.done $0x0  }
.LBB2_2:
0x4f: {  	s16 =	sadd.s32 s13, s18  }
0x50: {  	[sflag:s22] =	ssyncadd.s32 $0xFFFFC000;
	s8 =	smov.u32 s14;
	s15 =	sadd.s32 $0x20, s14  }
0x51: {  	[tilespmem:s25], [sflag:$0x3] =	stream.linear.gather [hbm4b:s16+s3], $0x80, $0x38;
	[tilespmem:$0x1C380] =	vst v63  }
0x52: {  	p1 =	sne.s32 s14, $0x4A0;
	_ =	swait.ge [sflag:s22], $0x80  }
0x53: {  	s14 =	sadd.s32 s13, s17;
	s13 =	smov.u32 s8;
	[sflag:s22] =	ssyncset.done $0x0  }
0x54: {  	s8 =	sadd.s32 $0x10, s14;
	[sflag:s22] =	ssyncadd.s32 $0xFFFFFF80  }
0x55: {  	[tilespmem:s26], [sflag:$0x3] =	stream.linear.gather [hbm4b:s8+s3], $0x80, $0x38;
	[tilespmem:$0x1C380] =	vst v63  }
0x56: {  	_ =	swait.ge [sflag:s22], $0x80  }
0x57: {  	[sflag:s22] =	ssyncset.done $0x0  }
0x58: {  	[sflag:s22] =	ssyncadd.s32 $0xFFFFFF80  }
0x59: {  	[tilespmem:s28], [sflag:$0x2] =	stream.indirect.gather [hbm4b:s4+s23], $0x80, s25, s23, $0xb8;
	[tilespmem:$0x1C380] =	vst v63  }
0x5a: {  	_ =	swait.ge [sflag:s29], $0x4000  }
0x5b: {  	[sflag:s29] =	ssyncset.done $0x0  }
0x5c: {  	[sflag:s29] =	ssyncadd.s32 $0xFFFFC000  }
0x5d: {  	[spmem:s1] =	stream.indirect.scatter.add.f32 [tilespmem:s24], [sflag:$0x3], $0x80, s23, s23, $0xb8;
	[tilespmem:$0x1C380] =	vst v63  }
0x5e: {  	_ =	swait.ge [sflag:s22], $0x4000  }
0x5f: {  	s8 =	sshrl.u32 s12, $0x3;
	[sflag:s22] =	ssyncset.done $0x0  }
0x60: {  	s8 =	sadd.s32 s5, s8;
	[sflag:s22] =	ssyncadd.s32 $0xFFFFC000  }
0x61: {  	[tilespmem:s3], [sflag:$0x3] =	stream.linear.gather [hbm4b:s8+s3], $0x80, $0x38;
	[tilespmem:$0x1C380] =	vst v63  }
0x62: {  	_ =	swait.ge [sflag:s22], $0x80  }
0x63: {  	[sflag:s22] =	ssyncset.done $0x0  }
0x64: {  	s8 =	sadd.s32 $0x20, s14;
	[sflag:s22] =	ssyncadd.s32 $0xFFFFFF80  }
0x65: {  	[tilespmem:s23], [sflag:$0x3] =	stream.linear.gather [hbm4b:s8+s3], $0x80, $0x38;
	[tilespmem:$0x1C380] =	vst v63  }
0x66: {  	_ =	swait.ge [sflag:s22], $0x80  }
0x67: {  	[sflag:s22] =	ssyncset.done $0x0  }
0x68: {  	[sflag:s22] =	ssyncadd.s32 $0xFFFFFF80  }
0x69: {  	[tilespmem:s24], [sflag:$0x1] =	stream.indirect.gather [hbm4b:s4+s23], $0x80, s3, s23, $0xb8;
	[tilespmem:$0x1C380] =	vst v63  }
0x6a: {  	_ =	swait.ge [sflag:s30], $0x4000  }
.Ltmp0:
0x6b: {  	[sflag:s30] =	ssyncset.done $0x0;
	(pc) =	sbr.rel @p1 .LBB2_2-.Ltmp0, $4  }
0x6c: {  	[sflag:s30] =	ssyncadd.s32 $0xFFFFC000  }
0x6d: {  	[spmem:s1] =	stream.indirect.scatter.add.f32 [tilespmem:s28], [sflag:$0x3], $0x80, s26, s23, $0xb8;
	[tilespmem:$0x1C380] =	vst v63  }
0x6e: {  	_ =	swait.ge [sflag:s22], $0x4000  }
0x6f: {  	s12 =	sadd.s32 $0x100, s12;
	s14 =	smov.u32 s15;
	[sflag:s22] =	ssyncset.done $0x0  }
0x70: {  	s8 =	sadd.s32 s13, s18;
	[sflag:s22] =	ssyncadd.s32 $0xFFFFC000  }
0x71: {  	[tilespmem:s25], [sflag:$0x3] =	stream.linear.gather [hbm4b:s8+s3], $0x80, $0x38;
	[tilespmem:$0x1C380] =	vst v63  }
0x72: {  	_ =	swait.ge [sflag:s22], $0x80  }
0x73: {  	s16 =	sadd.s32 s13, s17;
	[sflag:s22] =	ssyncset.done $0x0  }
0x74: {  	s13 =	sadd.s32 $0x10, s16;
	[sflag:s22] =	ssyncadd.s32 $0xFFFFFF80  }
0x75: {  	[tilespmem:s26], [sflag:$0x3] =	stream.linear.gather [hbm4b:s13+s3], $0x80, $0x38;
	[tilespmem:$0x1C380] =	vst v63  }
0x76: {  	_ =	swait.ge [sflag:s22], $0x80  }
0x77: {  	[sflag:s22] =	ssyncset.done $0x0  }
0x78: {  	[sflag:s22] =	ssyncadd.s32 $0xFFFFFF80  }
0x79: {  	[tilespmem:s28], [sflag:$0x2] =	stream.indirect.gather [hbm4b:s4+s23], $0x80, s25, s23, $0xb8;
	[tilespmem:$0x1C380] =	vst v63  }
0x7a: {  	_ =	swait.ge [sflag:s29], $0x4000  }
0x7b: {  	[sflag:s29] =	ssyncset.done $0x0  }
0x7c: {  	[sflag:s29] =	ssyncadd.s32 $0xFFFFC000  }
0x7d: {  	[spmem:s1] =	stream.indirect.scatter.add.f32 [tilespmem:s24], [sflag:$0x3], $0x80, s23, s23, $0xb8;
	[tilespmem:$0x1C380] =	vst v63  }
0x7e: {  	_ =	swait.ge [sflag:s22], $0x4000  }
0x7f: {  	s12 =	sshrl.u32 s12, $0x3;
	[sflag:s22] =	ssyncset.done $0x0  }
0x80: {  	s12 =	sadd.s32 s5, s12;
	[sflag:s22] =	ssyncadd.s32 $0xFFFFC000  }
0x81: {  	[tilespmem:s3], [sflag:$0x3] =	stream.linear.gather [hbm4b:s12+s3], $0x80, $0x38;
	[tilespmem:$0x1C380] =	vst v63  }
0x82: {  	_ =	swait.ge [sflag:s22], $0x80  }
0x83: {  	[sflag:s22] =	ssyncset.done $0x0  }
0x84: {  	s8 =	sadd.s32 $0x20, s16;
	[sflag:s22] =	ssyncadd.s32 $0xFFFFFF80  }
0x85: {  	[tilespmem:s23], [sflag:$0x3] =	stream.linear.gather [hbm4b:s8+s3], $0x80, $0x38;
	[tilespmem:$0x1C380] =	vst v63  }
0x86: {  	_ =	swait.ge [sflag:s22], $0x80  }
0x87: {  	[sflag:s22] =	ssyncset.done $0x0  }
0x88: {  	[sflag:s22] =	ssyncadd.s32 $0xFFFFFF80  }
0x89: {  	[tilespmem:s24], [sflag:$0x1] =	stream.indirect.gather [hbm4b:s4+s23], $0x80, s3, s23, $0xb8;
	[tilespmem:$0x1C380] =	vst v63  }
0x8a: {  	_ =	swait.ge [sflag:s30], $0x4000  }
0x8b: {  	[sflag:s30] =	ssyncset.done $0x0  }
0x8c: {  	[sflag:s30] =	ssyncadd.s32 $0xFFFFC000  }
0x8d: {  	[spmem:s1] =	stream.indirect.scatter.add.f32 [tilespmem:s28], [sflag:$0x3], $0x80, s26, s23, $0xb8;
	[tilespmem:$0x1C380] =	vst v63  }
0x8e: {  	_ =	swait.ge [sflag:s22], $0x4000  }
0x8f: {  	[sflag:s22] =	ssyncset.done $0x0  }
0x90: {  	s12 =	rddreg [dreg:$0xb];
	[sflag:s22] =	ssyncadd.s32 $0xFFFFC000  }
0x91: {  	[tilespmem:s25], [sflag:$0x3] =	stream.linear.gather [hbm4b:s12+s3], $0x80, $0x38;
	[tilespmem:$0x1C380] =	vst v63  }
0x92: {  	_ =	swait.ge [sflag:s22], $0x80  }
0x93: {  	[sflag:s22] =	ssyncset.done $0x0  }
0x94: {  	s13 =	rddreg [dreg:$0xc];
	[sflag:s22] =	ssyncadd.s32 $0xFFFFFF80  }
0x95: {  	[tilespmem:s26], [sflag:$0x3] =	stream.linear.gather [hbm4b:s13+s3], $0x80, $0x38;
	[tilespmem:$0x1C380] =	vst v63  }
0x96: {  	_ =	swait.ge [sflag:s22], $0x80  }
0x97: {  	[sflag:s22] =	ssyncset.done $0x0  }
0x98: {  	[sflag:s22] =	ssyncadd.s32 $0xFFFFFF80  }
0x99: {  	[tilespmem:s28], [sflag:$0x2] =	stream.indirect.gather [hbm4b:s4+s23], $0x80, s25, s23, $0xb8;
	[tilespmem:$0x1C380] =	vst v63  }
0x9a: {  	_ =	swait.ge [sflag:s29], $0x4000  }
0x9b: {  	[sflag:s29] =	ssyncset.done $0x0  }
0x9c: {  	[sflag:s29] =	ssyncadd.s32 $0xFFFFC000  }
0x9d: {  	[spmem:s1] =	stream.indirect.scatter.add.f32 [tilespmem:s24], [sflag:$0x3], $0x80, s23, s23, $0xb8;
	[tilespmem:$0x1C380] =	vst v63  }
0x9e: {  	_ =	swait.ge [sflag:s22], $0x4000  }
0x9f: {  	[sflag:s22] =	ssyncset.done $0x0  }
0xa0: {  	[sflag:s22] =	ssyncadd.s32 $0xFFFFC000  }
0xa1: {  	_ =	swait.ge [sflag:s30], $0x4000  }
0xa2: {  	[sflag:s30] =	ssyncset.done $0x0  }
0xa3: {  	[sflag:s30] =	ssyncadd.s32 $0xFFFFC000  }
0xa4: {  	[spmem:s1] =	stream.indirect.scatter.add.f32 [tilespmem:s28], [sflag:$0x3], $0x80, s26, s23, $0xb8;
	[tilespmem:$0x1C380] =	vst v63  }
0xa5: {  	_ =	swait.ge [sflag:s22], $0x4000  }
0xa6: {  	[sflag:s22] =	ssyncset.done $0x0  }
0xa7: {  	s14 =	rddreg [dreg:$0x6];
	[sflag:s22] =	ssyncadd.s32 $0xFFFFC000  }
0xa8: {  	[tilespmem:s31], [sflag:$0x3] =	stream.linear.gather [hbm4b:s14+s3], $0x10, $0x38;
	[tilespmem:$0x1C380] =	vst v63  }
0xa9: {  	_ =	swait.ge [sflag:s22], $0x10  }
0xaa: {  	[sflag:s22] =	ssyncset.done $0x0  }
0xab: {  	s15 =	rddreg [dreg:$0x7];
	[sflag:s22] =	ssyncadd.s32 $0xFFFFFFF0  }
0xac: {  	[tilespmem:s0], [sflag:$0x3] =	stream.linear.gather [hbm4b:s15+s3], $0x10, $0x38;
	[tilespmem:$0x1C380] =	vst v63  }
0xad: {  	_ =	swait.ge [sflag:s22], $0x10  }
0xae: {  	[sflag:s22] =	ssyncset.done $0x0  }
0xaf: {  	[sflag:s22] =	ssyncadd.s32 $0xFFFFFFF0  }
0xb0: {  	[tilespmem:s7], [sflag:$0x1] =	stream.indirect.gather [hbm4b:s4+s2], $0x80, s31, s2, $0xb8;
	[tilespmem:$0x1C380] =	vst v63  }
0xb1: {  	_ =	swait.ge [sflag:s29], $0x800  }
0xb2: {  	[sflag:s29] =	ssyncset.done $0x0  }
0xb3: {  	[sflag:s29] =	ssyncadd.s32 $0xFFFFF800  }
0xb4: {  	[spmem:s1] =	stream.indirect.scatter.add.f32 [tilespmem:s7], [sflag:$0x3], $0x80, s0, s2, $0xb8;
	[tilespmem:$0x1C380] =	vst v63  }
0xb5: {  	_ =	swait.ge [sflag:s22], $0x800  }
0xb6: {  	[sflag:s22] =	ssyncset.done $0x0  }
0xb7: {  	[sflag:s22] =	ssyncadd.s32 $0xFFFFF800  }
0xb8: {  	[bflag:$0x0] =	sbarrier.arrive $0xFFFF  }
0xb9: {  	s8 =	simm.s32 @p0 $0x1FC3;
	s12 =	rddreg [dreg:$0x9]  }
0xba: {  	[hbm:s12], [sflag:s8] =	dma.local @p0 [spmem:s20], $0x2800  }
0xbb: {  	s8 =	simm.s32 @p0 $0x3  }
0xbc: {  	_ =	swait.ge @p0 [sflag:s8], $0x2800  }
0xbd: {  	[sflag:s8] =	ssyncset.done @p0 $0x0  }
0xbe: {  	[sflag:s8] =	ssyncadd.s32 @p0 $0xFFFFD800;
	s8 =	rddreg [dreg:$0x8]  }
0xbf: {  	[hbm:s8], [sflag:s21] =	dma.local @!p0 [spmem:s11], $0x2700  }
0xc0: {  	s8 =	simm.s32 @!p0 $0x3  }
0xc1: {  	_ =	swait.ge @!p0 [sflag:s8], $0x2700  }
0xc2: {  	s10 =	sadd.s32 $0x1, s10;
	s16 =	rddreg [dreg:$0xa]  }
0xc3: {  	p1 =	sne.s32 s10, s16  }
.Ltmp1:
0xc4: {  	_ = 	snop;
	(pc) =	sbr.rel @p1 .LBB2_1-.Ltmp1, $3  }
0xc5: {  	_ =	sdelay $0x1  }
0xc6: {  	[sflag:s8] =	ssyncset.done @!p0 $0x0  }
0xc7: {  	[sflag:s8] =	ssyncadd.s32 @!p0 $0xFFFFD900  }
0xc8: {  	_ =	sfence.sel $0x180000  }
0xc9: {  	[bflag:$0x0] =	sbarrier.arrive $0xFFFF  }
0xca: {  	_ =	strace $0x9000004A  }
0xcb: {  	s0 =	stileid.u32;
	[bflag:$0x2] =	sbarrier.arrive $0xFFFF  }
0xcc: {  	p0 =	sne.s32 s0, $0x0;
	s0 =	rddreg [dreg:$0x3]  }
0xcd: {  	s0 =	sadd.s32 @!p0 $0x100000, s0  }
0xce: {  	[sflag:s0] =	ssyncadd.tile.s32 @!p0 $0x1;
	_ =	shalt  }
.Lfunc_end2:
_tile_overlayer_lowered:
.L_overlay_start_2:
0xcf: {  	(tag) =	ssettag $0x2  }
0xd0: {  	s0 =	rddreg [dreg:$0x0];
	s2 =	stileid.u32  }
0xd1: {  	s1 =	rddreg [dreg:$0x1];
	p0 =	sne.s32 s2, $0x0  }
0xd2: {  	s3 =	rddreg [dreg:$0x2];
	[bflag:$0x3] =	sbarrier.arrive $0xFFFF;
	s2 =	simm.s32 @!p0 $0x1C03  }
0xd3: {  	[timem:s3], [sflag:s2] =	dma.local @!p0 [hbm:s0], s1  }
0xd4: {  	s0 =	simm.s32 @!p0 $0x3  }
0xd5: {  	_ =	swait.ge @!p0 [sflag:s0], s1  }
0xd6: {  	s1 =	ssub.s32 @!p0 $0x0, s1;
	[sflag:s0] =	ssyncset.done @!p0 $0x0  }
0xd7: {  	[sflag:s0] =	ssyncadd.s32 @!p0 s1  }
0xd8: {  	[bflag:$0x3] =	sbarrier.arrive $0xFFFF  }
0xd9: {  	_ =	shalt  }

</sc_bundles>
